<compile_context>
chip_gen: v7x
topology: tpu7x:2x2x1
jax: 0.10.2.dev20260603
libtpu: 0.0.44.dev20260713+nightly
codegen_flags: <defaults>
</compile_context>

<pallas_src>
import functools

import jax
import jax.numpy as jnp
from jax import lax
from jax.experimental import pallas as pl
from jax.experimental.pallas import tpu as pltpu
from jax.experimental.pallas import tpu_sc as plsc

N_USER = 1000000
N_CAS = 100000
D = 64
TD = 8
B = 16384

NC = 2
NS = 16
L = 16
NW = NC * NS
CHUNK = 128


def _gather_units(units, idxs, rows, sems, vals_v, iota16):
    key0, tab0, _, _, off0, _ = units[0]
    pltpu.sync_copy(key0.at[pl.ds(off0, CHUNK)], idxs[0])
    descs = {0: pltpu.async_copy(tab0.at[idxs[0]], rows[0], sems[0])}
    for u in range(len(units)):
        s = u % 2
        if u + 1 < len(units):
            s1 = (u + 1) % 2
            kk, tt, _, _, ofn, _ = units[u + 1]
            pltpu.sync_copy(kk.at[pl.ds(ofn, CHUNK)], idxs[s1])
            descs[u + 1] = pltpu.async_copy(tt.at[idxs[s1]], rows[s1], sems[s1])
        _, _, out, sm, off, vb = units[u]
        descs[u].wait()
        pltpu.sync_copy(rows[s].at[:, pl.ds(0, D)], out.at[pl.ds(off, CHUNK)])
        if sm is not None:
            for t in range(CHUNK // L):
                vals_v[pl.ds(t * L, L)] = vb + t * L + iota16
            pltpu.sync_copy(vals_v, sm.at[idxs[s]])


def _cas_slotmap_body(src_nodes, dst_nodes, cascades, cas_state,
                      cas_h, slotmap_u, slotmap_c,
                      idx_v0, idx_v1, vals_v, rows_v0, rows_v1, sem0, sem1):
    wid = lax.axis_index("s") * NC + lax.axis_index("c")
    per_w = B // NW
    iota16 = lax.iota(jnp.int32, 16)
    for k in range(per_w // CHUNK):
        off = wid * per_w + k * CHUNK
        pltpu.sync_copy(src_nodes.at[pl.ds(off, CHUNK)], idx_v0)
        for t in range(CHUNK // L):
            vals_v[pl.ds(t * L, L)] = off + t * L + iota16
        pltpu.sync_copy(vals_v, slotmap_u.at[idx_v0])
        pltpu.sync_copy(dst_nodes.at[pl.ds(off, CHUNK)], idx_v0)
        for t in range(CHUNK // L):
            vals_v[pl.ds(t * L, L)] = B + off + t * L + iota16
        pltpu.sync_copy(vals_v, slotmap_u.at[idx_v0])
    units = []
    for k in range(per_w // CHUNK):
        off = wid * per_w + k * CHUNK
        units.append((cascades, cas_state, cas_h, slotmap_c, off, off))
    _gather_units(units, [idx_v0, idx_v1], [rows_v0, rows_v1],
                  [sem0, sem1], vals_v, iota16)


def _user_gather_body(src_nodes, dst_nodes, user_state, src_h, dst_h,
                      idx_v0, idx_v1, vals_v, rows_v0, rows_v1, sem0, sem1):
    wid = lax.axis_index("s") * NC + lax.axis_index("c")
    per_w = B // NW
    iota16 = lax.iota(jnp.int32, 16)
    units = []
    for k in range(per_w // CHUNK):
        off = wid * per_w + k * CHUNK
        units.append((src_nodes, user_state, src_h, None, off, off))
        units.append((dst_nodes, user_state, dst_h, None, off, off))
    _gather_units(units, [idx_v0, idx_v1], [rows_v0, rows_v1],
                  [sem0, sem1], vals_v, iota16)


_SC_GATHER_SCRATCH = [
    pltpu.VMEM((CHUNK,), jnp.int32),
    pltpu.VMEM((CHUNK,), jnp.int32),
    pltpu.VMEM((CHUNK,), jnp.int32),
    pltpu.VMEM((CHUNK, 2 * D), jnp.float32),
    pltpu.VMEM((CHUNK, 2 * D), jnp.float32),
    pltpu.SemaphoreType.DMA,
    pltpu.SemaphoreType.DMA,
]


@jax.jit
def _sc_cas_slotmap(src_nodes, dst_nodes, cascades, cas_state):
    mesh = plsc.VectorSubcoreMesh(core_axis_name="c", subcore_axis_name="s")
    f = pl.kernel(
        _cas_slotmap_body,
        out_type=[
            jax.ShapeDtypeStruct((B, D), jnp.float32),
            jax.ShapeDtypeStruct((N_USER,), jnp.int32),
            jax.ShapeDtypeStruct((N_CAS,), jnp.int32),
        ],
        mesh=mesh,
        scratch_types=_SC_GATHER_SCRATCH,
        compiler_params=pltpu.CompilerParams(use_tc_tiling_on_sc=False),
    )
    return f(src_nodes, dst_nodes, cascades, cas_state)


@jax.jit
def _sc_user_gather(src_nodes, dst_nodes, user_state):
    mesh = plsc.VectorSubcoreMesh(core_axis_name="c", subcore_axis_name="s")
    f = pl.kernel(
        _user_gather_body,
        out_type=[
            jax.ShapeDtypeStruct((B, D), jnp.float32),
            jax.ShapeDtypeStruct((B, D), jnp.float32),
        ],
        mesh=mesh,
        scratch_types=_SC_GATHER_SCRATCH,
        compiler_params=pltpu.CompilerParams(use_tc_tiling_on_sc=False),
    )
    return f(src_nodes, dst_nodes, user_state)


USLOT = 2 * B
CSLOT = B
UHALF = USLOT // NC
CHALF = CSLOT // NC
DUM = 128
UROWS = UHALF + DUM
CROWS = CHALF + DUM


def _agg_body(src, dst, cascades, slotmap_u, slotmap_c,
              msg_src, msg_dst, msg_cas,
              aggu_g, cntu_g, aggc_g, cntc_g, rep_dst_h, rep_c_h,
              agg_u_s, cnt_u_s, agg_c_s, cnt_c_s,
              rep_src_v, rep_dst_v, rep_c_v,
              zvec_v, ones_v, idx_v, val_v, rows_v, sem):
    c_id = lax.axis_index("c")
    s_id = lax.axis_index("s")
    iota16 = lax.iota(jnp.int32, 16)
    per_tile = B // NS
    n_ch = per_tile // CHUNK

    for t in range(CHUNK // L):
        ones_v[pl.ds(t * L, L)] = jnp.full((L,), 1.0, jnp.float32)
        zvec_v[pl.ds(t * L, L)] = jnp.zeros((L,), jnp.float32)

    def zrow(r, _):
        for t in range(D // L):
            rows_v[r, pl.ds(t * L, L)] = jnp.zeros((L,), jnp.float32)
        return ()
    lax.fori_loop(0, CHUNK, zrow, (), unroll=False)

    def rep_gather(k, _):
        off = s_id * per_tile + k * CHUNK
        dsl = pl.ds(k * CHUNK, CHUNK)
        pltpu.sync_copy(src.at[pl.ds(off, CHUNK)], idx_v)
        pltpu.async_copy(slotmap_u.at[idx_v], rep_src_v.at[dsl], sem).wait()
        pltpu.sync_copy(dst.at[pl.ds(off, CHUNK)], idx_v)
        pltpu.async_copy(slotmap_u.at[idx_v], rep_dst_v.at[dsl], sem).wait()
        pltpu.sync_copy(cascades.at[pl.ds(off, CHUNK)], idx_v)
        pltpu.async_copy(slotmap_c.at[idx_v], rep_c_v.at[dsl], sem).wait()
        return ()
    lax.fori_loop(0, n_ch, rep_gather, (), unroll=False)

    def zero_tab(tab_s, cnt_s, n_rows):
        n_chunks = n_rows // CHUNK
        n_iter = (n_chunks + NS - 1) // NS

        def body(k, _):
            ch = s_id + k * NS

            @pl.when(ch < n_chunks)
            def _():
                pltpu.sync_copy(rows_v, tab_s.at[pl.ds(ch * CHUNK, CHUNK)])
                pltpu.sync_copy(zvec_v, cnt_s.at[pl.ds(ch * CHUNK, CHUNK)])
            return ()
        lax.fori_loop(0, n_iter, body, (), unroll=False)

    zero_tab(agg_u_s, cnt_u_s, UROWS)
    zero_tab(agg_c_s, cnt_c_s, CROWS)
    plsc.subcore_barrier()

    def scatter(rep_v, msg_arr, tab_s, cnt_s, half):
        base = c_id * half

        def body(k, _):
            off = s_id * per_tile + k * CHUNK
            for t in range(CHUNK // L):
                v = rep_v[pl.ds(k * CHUNK + t * L, L)]
                loc = v - base
                ok = (loc >= 0) & (loc < half)
                dummy = half + ((off + t * L + iota16) & (DUM - 1))
                idx_v[pl.ds(t * L, L)] = jnp.where(ok, loc, dummy)
            pltpu.sync_copy(msg_arr.at[pl.ds(off, CHUNK)], rows_v)
            pltpu.sync_copy(rows_v, tab_s.at[idx_v], add=True)
            pltpu.sync_copy(ones_v, cnt_s.at[idx_v], add=True)
            return ()
        lax.fori_loop(0, n_ch, body, (), unroll=False)

    scatter(rep_src_v, msg_src, agg_u_s, cnt_u_s, UHALF)
    scatter(rep_dst_v, msg_dst, agg_u_s, cnt_u_s, UHALF)
    scatter(rep_c_v, msg_cas, agg_c_s, cnt_c_s, CHALF)
    plsc.subcore_barrier()

    def mean_out(rep_v, tab_s, cnt_s, rows_h, cnt_h, half):
        base = c_id * half

        def body(k, _):
            off = s_id * per_tile + k * CHUNK
            go = pl.multiple_of(c_id * B + off, CHUNK)
            for t in range(CHUNK // L):
                v = rep_v[pl.ds(k * CHUNK + t * L, L)]
                loc = v - base
                ok = (loc >= 0) & (loc < half)
                dummy = half + ((off + t * L + iota16) & (DUM - 1))
                idx_v[pl.ds(t * L, L)] = jnp.where(ok, loc, dummy)
            pltpu.async_copy(tab_s.at[idx_v], rows_v, sem).wait()
            pltpu.async_copy(cnt_s.at[idx_v], val_v, sem).wait()
            pltpu.sync_copy(rows_v, rows_h.at[pl.ds(go, CHUNK)])
            pltpu.sync_copy(val_v, cnt_h.at[pl.ds(go, CHUNK)])
            return ()
        lax.fori_loop(0, n_ch, body, (), unroll=False)

    mean_out(rep_dst_v, agg_u_s, cnt_u_s, aggu_g, cntu_g, UHALF)
    mean_out(rep_c_v, agg_c_s, cnt_c_s, aggc_g, cntc_g, CHALF)

    pltpu.sync_copy(rep_dst_v, rep_dst_h.at[pl.ds(s_id * per_tile, per_tile)])
    pltpu.sync_copy(rep_c_v, rep_c_h.at[pl.ds(s_id * per_tile, per_tile)])


@jax.jit
def _sc_aggregate(src, dst, cascades, slotmap_u, slotmap_c,
                  msg_src, msg_dst, msg_cas):
    mesh = plsc.VectorSubcoreMesh(core_axis_name="c", subcore_axis_name="s")
    f = pl.kernel(
        _agg_body,
        out_type=[
            jax.ShapeDtypeStruct((NC * B, D), jnp.float32),
            jax.ShapeDtypeStruct((NC * B,), jnp.float32),
            jax.ShapeDtypeStruct((NC * B, D), jnp.float32),
            jax.ShapeDtypeStruct((NC * B,), jnp.float32),
            jax.ShapeDtypeStruct((B,), jnp.int32),
            jax.ShapeDtypeStruct((B,), jnp.int32),
        ],
        mesh=mesh,
        scratch_types=[
            pltpu.VMEM_SHARED((UROWS, D), jnp.float32),
            pltpu.VMEM_SHARED((UROWS,), jnp.float32),
            pltpu.VMEM_SHARED((CROWS, D), jnp.float32),
            pltpu.VMEM_SHARED((CROWS,), jnp.float32),
            pltpu.VMEM((B // NS,), jnp.int32),
            pltpu.VMEM((B // NS,), jnp.int32),
            pltpu.VMEM((B // NS,), jnp.int32),
            pltpu.VMEM((CHUNK,), jnp.float32),
            pltpu.VMEM((CHUNK,), jnp.float32),
            pltpu.VMEM((CHUNK,), jnp.int32),
            pltpu.VMEM((CHUNK,), jnp.float32),
            pltpu.VMEM((CHUNK, D), jnp.float32),
            pltpu.SemaphoreType.DMA,
        ],
        compiler_params=pltpu.CompilerParams(use_tc_tiling_on_sc=False),
    )
    return f(src, dst, cascades, slotmap_u, slotmap_c,
             msg_src, msg_dst, msg_cas)


TC_TILE = 2048
TC_GRID = B // TC_TILE


def _msg_body(et_ref, pt_ref, srch_ref, dsth_ref, cash_ref, tw_ref, tb_ref,
              wu_ref, bu_ref, wc_ref, bc_ref,
              msrc_ref, mdst_ref, mcas_ref):
    et = et_ref[0, 0, :]
    pt = pt_ref[0, 0, :]
    w = tw_ref[0, :][None, :]
    tb = tb_ref[0, :][None, :]
    enc = jnp.cos(et[:, None] * w + tb)
    enc_c = jnp.cos((et - jnp.maximum(pt, 0.0))[:, None] * w + tb)
    w1, w2, w3 = wu_ref[:D, :], wu_ref[D:2 * D, :], wu_ref[2 * D:, :]
    dot = functools.partial(jnp.dot, preferred_element_type=jnp.float32)
    shared = dot(cash_ref[...], w2) + dot(enc, w3) + bu_ref[0, :][None, :]
    msrc_ref[...] = dot(srch_ref[...], w1) + shared
    mdst_ref[...] = dot(dsth_ref[...], w1) + shared
    c1, c2, c3 = wc_ref[:D, :], wc_ref[D:2 * D, :], wc_ref[2 * D:, :]
    mcas_ref[...] = (dot(cash_ref[...], c1) + dot(srch_ref[...], c2)
                     + dot(enc_c, c3) + bc_ref[0, :][None, :])


@jax.jit
def _tc_messages(edge_times, pub_times, src_h, dst_h, cas_h,
                 time_w, time_b, W_msg_u, b_msg_u, W_msg_c, b_msg_c):
    row_spec = pl.BlockSpec((TC_TILE, D), lambda i: (i, 0))
    vec_spec = pl.BlockSpec((1, 1, TC_TILE), lambda i: (i, 0, 0))
    full = lambda s: pl.BlockSpec(s, lambda i: tuple(0 for _ in s))
    return pl.pallas_call(
        _msg_body,
        grid=(TC_GRID,),
        in_specs=[
            vec_spec, vec_spec, row_spec, row_spec, row_spec,
            full((1, TD)), full((1, TD)),
            full((2 * D + TD, D)), full((1, D)),
            full((2 * D + TD, D)), full((1, D)),
        ],
        out_specs=[row_spec, row_spec, row_spec],
        out_shape=[jax.ShapeDtypeStruct((B, D), jnp.float32)] * 3,
    )(edge_times.reshape(TC_GRID, 1, TC_TILE),
      pub_times.reshape(TC_GRID, 1, TC_TILE),
      src_h, dst_h, cas_h,
      time_w.reshape(1, TD), time_b.reshape(1, TD),
      W_msg_u, b_msg_u.reshape(1, D), W_msg_c, b_msg_c.reshape(1, D))


def _gru_tile(x, h, Wx, Wh, bx, bh):
    dot = functools.partial(jnp.dot, preferred_element_type=jnp.float32)
    gx = dot(x, Wx[...]) + bx[0, :][None, :]
    gh = dot(h, Wh[...]) + bh[0, :][None, :]
    r = jax.nn.sigmoid(gx[:, :D] + gh[:, :D])
    z = jax.nn.sigmoid(gx[:, D:2 * D] + gh[:, D:2 * D])
    n = jnp.tanh(gx[:, 2 * D:] + r * gh[:, 2 * D:])
    return (1.0 - z) * n + z * h


def _gru_body(aggu0_ref, aggu1_ref, cntu0_ref, cntu1_ref, repu_ref,
              dsth_ref,
              aggc0_ref, aggc1_ref, cntc0_ref, cntc1_ref, repc_ref,
              cash_ref,
              wxu_ref, whu_ref, bxu_ref, bhu_ref,
              wxc_ref, whc_ref, bxc_ref, bhc_ref, wp_ref, bp_ref,
              pred_ref):
    repu2 = jnp.broadcast_to(repu_ref[0, 0, :][:, None], (TC_TILE, D))
    repc2 = jnp.broadcast_to(repc_ref[0, 0, :][:, None], (TC_TILE, D))
    aggu = jnp.where(repu2 < UHALF, aggu0_ref[...], aggu1_ref[...])
    cntu = jnp.where(repu_ref[0, 0, :] < UHALF,
                     cntu0_ref[0, 0, :], cntu1_ref[0, 0, :])
    aggc = jnp.where(repc2 < CHALF, aggc0_ref[...], aggc1_ref[...])
    cntc = jnp.where(repc_ref[0, 0, :] < CHALF,
                     cntc0_ref[0, 0, :], cntc1_ref[0, 0, :])
    mean_u = aggu / cntu[:, None]
    mean_c = aggc / cntc[:, None]
    h_u = _gru_tile(mean_u, dsth_ref[...], wxu_ref, whu_ref, bxu_ref, bhu_ref)
    h_c = _gru_tile(mean_c, cash_ref[...], wxc_ref, whc_ref, bxc_ref, bhc_ref)
    emb = h_u + h_c
    pred_ref[0, 0, :] = jnp.sum(emb * wp_ref[0, :][None, :], axis=1) + bp_ref[0, 0]


@jax.jit
def _tc_gru_pred(aggu_g, cntu_g, rep_dst, dst_h,
                 aggc_g, cntc_g, rep_c, cas_h,
                 Wx_u, Wh_u, bx_u, bh_u, Wx_c, Wh_c, bx_c, bh_c,
                 W_pred, b_pred):
    row0 = pl.BlockSpec((TC_TILE, D), lambda i: (i, 0))
    row1 = pl.BlockSpec((TC_TILE, D), lambda i: (TC_GRID + i, 0))
    vec0 = pl.BlockSpec((1, 1, TC_TILE), lambda i: (i, 0, 0))
    vec1 = pl.BlockSpec((1, 1, TC_TILE), lambda i: (TC_GRID + i, 0, 0))
    full = lambda s: pl.BlockSpec(s, lambda i: tuple(0 for _ in s))
    r3 = lambda x: x.reshape(-1, 1, TC_TILE)
    out = pl.pallas_call(
        _gru_body,
        grid=(TC_GRID,),
        in_specs=[
            row0, row1, vec0, vec1, vec0, row0,
            row0, row1, vec0, vec1, vec0, row0,
            full((D, 3 * D)), full((D, 3 * D)), full((1, 3 * D)), full((1, 3 * D)),
            full((D, 3 * D)), full((D, 3 * D)), full((1, 3 * D)), full((1, 3 * D)),
            full((1, D)), full((1, 1)),
        ],
        out_specs=pl.BlockSpec((1, 1, TC_TILE), lambda i: (i, 0, 0)),
        out_shape=jax.ShapeDtypeStruct((TC_GRID, 1, TC_TILE), jnp.float32),
    )(aggu_g, aggu_g, r3(cntu_g), r3(cntu_g), r3(rep_dst), dst_h,
      aggc_g, aggc_g, r3(cntc_g), r3(cntc_g), r3(rep_c), cas_h,
      Wx_u, Wh_u, bx_u.reshape(1, 3 * D), bh_u.reshape(1, 3 * D),
      Wx_c, Wh_c, bx_c.reshape(1, 3 * D), bh_c.reshape(1, 3 * D),
      W_pred.reshape(1, D), b_pred.reshape(1, 1))
    return out.reshape(B)


def kernel(source_nodes, destination_nodes, trans_cascades, edge_times,
           pub_times, target_idx, user_state, cas_state, user_last_update,
           cas_last_update, time_w, time_b, W_msg_u, b_msg_u, W_msg_c, b_msg_c,
           Wx_u, Wh_u, bx_u, bh_u, Wx_c, Wh_c, bx_c, bh_c, W_pred, b_pred):
    src = source_nodes.astype(jnp.int32)
    dst = destination_nodes.astype(jnp.int32)
    cas = trans_cascades.astype(jnp.int32)

    usp = jnp.pad(user_state, ((0, 0), (0, D)))
    csp = jnp.pad(cas_state, ((0, 0), (0, D)))
    cas_h, slotmap_u, slotmap_c = _sc_cas_slotmap(src, dst, cas, csp)
    src_h, dst_h = _sc_user_gather(src, dst, usp)

    msg_src, msg_dst, msg_cas = _tc_messages(
        edge_times, pub_times, src_h, dst_h, cas_h,
        time_w, time_b, W_msg_u, b_msg_u, W_msg_c, b_msg_c)

    aggu_g, cntu_g, aggc_g, cntc_g, rep_dst, rep_c = _sc_aggregate(
        src, dst, cas, slotmap_u, slotmap_c, msg_src, msg_dst, msg_cas)

    pred = _tc_gru_pred(aggu_g, cntu_g, rep_dst, dst_h,
                        aggc_g, cntc_g, rep_c, cas_h,
                        Wx_u, Wh_u, bx_u, bh_u, Wx_c, Wh_c, bx_c, bh_c,
                        W_pred, b_pred)
    zeros = jnp.zeros_like(pred)
    return (pred, zeros, zeros)

# --- scband reference (transcript-rebuilt; emitter-appended) ---
"""Pipeline reference for scband-main-model-18717467476621 (READ-ONLY COPY).

The authoritative reference and input builder live on the scoring server;
editing this copy changes nothing except your own understanding.
"""

import jax, jax.numpy as jnp
import numpy as np

N_USER = 1000000
N_CAS = 100000
D = 64
TD = 8
B = 16384


def _gru(x, h, Wx, Wh, bx, bh):
    d = h.shape[1]
    gx = x @ Wx + bx
    gh = h @ Wh + bh
    r = jax.nn.sigmoid(gx[:, :d] + gh[:, :d])
    z = jax.nn.sigmoid(gx[:, d:2 * d] + gh[:, d:2 * d])
    n = jnp.tanh(gx[:, 2 * d:] + r * gh[:, 2 * d:])
    return (1.0 - z) * n + z * h


def setup_inputs(seed: int = 0):
    key = jax.random.key(seed)
    ks = jax.random.split(key, 24)
    raw = 2 * D + TD
    inp = {}
    inp['source_nodes'] = jax.random.randint(ks[0], (B,), 0, N_USER)
    inp['destination_nodes'] = jax.random.randint(ks[1], (B,), 0, N_USER)
    inp['trans_cascades'] = jax.random.randint(ks[2], (B,), 0, N_CAS)
    inp['edge_times'] = jax.random.uniform(ks[3], (B,), dtype=jnp.float32)
    inp['pub_times'] = jax.random.uniform(ks[4], (B,), dtype=jnp.float32)
    inp['target_idx'] = jnp.arange(B)
    inp['user_state'] = 0.1 * jax.random.normal(ks[5], (N_USER, D), dtype=jnp.float32)
    inp['cas_state'] = 0.1 * jax.random.normal(ks[6], (N_CAS, D), dtype=jnp.float32)
    inp['user_last_update'] = jnp.zeros((N_USER,), jnp.float32)
    inp['cas_last_update'] = jnp.zeros((N_CAS,), jnp.float32)
    inp['time_w'] = jax.random.normal(ks[7], (TD,), dtype=jnp.float32)
    inp['time_b'] = jax.random.normal(ks[8], (TD,), dtype=jnp.float32)
    inp['W_msg_u'] = 0.05 * jax.random.normal(ks[9], (raw, D), dtype=jnp.float32)
    inp['b_msg_u'] = jnp.zeros((D,), jnp.float32)
    inp['W_msg_c'] = 0.05 * jax.random.normal(ks[10], (raw, D), dtype=jnp.float32)
    inp['b_msg_c'] = jnp.zeros((D,), jnp.float32)
    inp['Wx_u'] = 0.05 * jax.random.normal(ks[11], (D, 3 * D), dtype=jnp.float32)
    inp['Wh_u'] = 0.05 * jax.random.normal(ks[12], (D, 3 * D), dtype=jnp.float32)
    inp['bx_u'] = jnp.zeros((3 * D,), jnp.float32)
    inp['bh_u'] = jnp.zeros((3 * D,), jnp.float32)
    inp['Wx_c'] = 0.05 * jax.random.normal(ks[13], (D, 3 * D), dtype=jnp.float32)
    inp['Wh_c'] = 0.05 * jax.random.normal(ks[14], (D, 3 * D), dtype=jnp.float32)
    inp['bx_c'] = jnp.zeros((3 * D,), jnp.float32)
    inp['bh_c'] = jnp.zeros((3 * D,), jnp.float32)
    inp['W_pred'] = 0.05 * jax.random.normal(ks[15], (D, 1), dtype=jnp.float32)
    inp['b_pred'] = jnp.zeros((1,), jnp.float32)
    return inp


def reference(source_nodes, destination_nodes, trans_cascades, edge_times, pub_times, target_idx,
              user_state, cas_state, user_last_update, cas_last_update, time_w, time_b,
              W_msg_u, b_msg_u, W_msg_c, b_msg_c,
              Wx_u, Wh_u, bx_u, bh_u, Wx_c, Wh_c, bx_c, bh_c, W_pred, b_pred):
    # --- message generation (concat of gathered states + difference time encoding) ---
    src_h = user_state[source_nodes]
    dst_h = user_state[destination_nodes]
    cas_h = cas_state[trans_cascades]
    dt_src = edge_times - user_last_update[source_nodes]
    dt_dst = edge_times - user_last_update[destination_nodes]
    dt_cas = edge_times - jnp.maximum(cas_last_update[trans_cascades], pub_times)
    enc_src = jnp.cos(dt_src[:, None] * time_w[None, :] + time_b[None, :])
    enc_dst = jnp.cos(dt_dst[:, None] * time_w[None, :] + time_b[None, :])
    enc_cas = jnp.cos(dt_cas[:, None] * time_w[None, :] + time_b[None, :])
    msg_src = jnp.concatenate([src_h, cas_h, enc_src], axis=1) @ W_msg_u + b_msg_u
    msg_dst = jnp.concatenate([dst_h, cas_h, enc_dst], axis=1) @ W_msg_u + b_msg_u
    msg_cas = jnp.concatenate([cas_h, src_h, enc_cas], axis=1) @ W_msg_c + b_msg_c
    # --- mean message aggregation (scatter-add into node-indexed memory) ---
    nodes_u = jnp.concatenate([source_nodes, destination_nodes], axis=0)
    msgs_u = jnp.concatenate([msg_src, msg_dst], axis=0)
    times_u = jnp.concatenate([edge_times, edge_times], axis=0)
    agg_u = jnp.zeros((N_USER, D), msgs_u.dtype).at[nodes_u].add(msgs_u)
    cnt_u = jnp.zeros((N_USER,), msgs_u.dtype).at[nodes_u].add(1.0)
    mean_u = agg_u[nodes_u] / cnt_u[nodes_u][:, None]
    # --- GRU state update + scatter-overwrite of dynamic state memory ---
    h_new_u = _gru(mean_u, user_state[nodes_u], Wx_u, Wh_u, bx_u, bh_u)
    user_state_new = user_state.at[nodes_u].set(h_new_u)
    user_last_new = user_last_update.at[nodes_u].max(times_u)
    agg_c = jnp.zeros((N_CAS, D), msg_cas.dtype).at[trans_cascades].add(msg_cas)
    cnt_c = jnp.zeros((N_CAS,), msg_cas.dtype).at[trans_cascades].add(1.0)
    mean_c = agg_c[trans_cascades] / cnt_c[trans_cascades][:, None]
    h_new_c = _gru(mean_c, cas_state[trans_cascades], Wx_c, Wh_c, bx_c, bh_c)
    cas_state_new = cas_state.at[trans_cascades].set(h_new_c)
    # --- embedding of target cascades + linear predictor, scattered into batch slots ---
    tgt_cas = trans_cascades[target_idx]
    tgt_dst = destination_nodes[target_idx]
    emb = cas_state_new[tgt_cas] + user_state_new[tgt_dst]
    pred_t = (emb @ W_pred)[:, 0] + b_pred[0]
    pred = jnp.zeros((trans_cascades.shape[0],), pred_t.dtype).at[target_idx].set(pred_t)
    event_ll = jnp.zeros_like(pred)
    non_event_ll = jnp.zeros_like(pred)
    return (pred, event_ll, non_event_ll)

if __name__ == "__main__":
    import jax
    _d = setup_inputs()
    print(jax.jit(kernel)(*tuple(_d.values())))

</pallas_src>

<mosaic_0001>
#map = affine_map<(d0, d1) -> (0)>
#map1 = affine_map<(d0, d1) -> (0, 0)>
module attributes {stable_mosaic.version = 14 : i64} {
  func.func @_cas_slotmap_body(%arg0: i32, %arg1: i32, %arg2: memref<16384xi32, #tpu.memory_space<hbm>>, %arg3: memref<16384xi32, #tpu.memory_space<hbm>>, %arg4: memref<16384xi32, #tpu.memory_space<hbm>>, %arg5: memref<100000x128xf32, #tpu.memory_space<hbm>>, %arg6: memref<16384x64xf32, #tpu.memory_space<hbm>>, %arg7: memref<1000000xi32, #tpu.memory_space<hbm>>, %arg8: memref<100000xi32, #tpu.memory_space<hbm>>, %arg9: memref<128xi32, #tpu.memory_space<vmem>>, %arg10: memref<128xi32, #tpu.memory_space<vmem>>, %arg11: memref<128xi32, #tpu.memory_space<vmem>>, %arg12: memref<128x128xf32, #tpu.memory_space<vmem>>, %arg13: memref<128x128xf32, #tpu.memory_space<vmem>>, %arg14: memref<!tpu.dma_semaphore, #tpu.memory_space<semaphore_mem>>, %arg15: memref<!tpu.dma_semaphore, #tpu.memory_space<semaphore_mem>>) attributes {dimension_semantics = [#tpu.dimension_semantics<core_parallel>, #tpu.dimension_semantics<subcore_parallel>], iteration_bounds = array<i64: 2, 16>, scalar_prefetch = 0 : i64, scratch_operands = 7 : i64, tpu.core_type = #tpu.core_type<sc_vector_subcore>, window_params = [{transform_indices = #map}, {transform_indices = #map}, {transform_indices = #map}, {transform_indices = #map1}, {transform_indices = #map1}, {transform_indices = #map}, {transform_indices = #map}]} {
    %mul3A = arith.constant 2 : i32
    %mul3A_0 = arith.muli %arg1, %mul3A : i32
    %add3A = arith.addi %mul3A_0, %arg0 : i32
    %iota3A = tpu.iota {dimensions = array<i32: 0>} : vector<16xi32>
    %mul3A_1 = arith.constant 512 : i32
    %mul3A_2 = arith.muli %add3A, %mul3A_1 : i32
    %add3A_3 = arith.constant 0 : i32
    %add3A_4 = arith.addi %mul3A_2, %add3A_3 : i32
    "tpu.region"() ({
      %run_scoped3A = tpu.sem_alloc : memref<!tpu.dma_semaphore, #tpu.memory_space<semaphore_mem>>
      %dma_start3A_886 = tpu.memref_slice %arg2[%add3A_4] : memref<16384xi32, #tpu.memory_space<hbm>> -> memref<128xi32, #tpu.memory_space<hbm>>
      %dma_start3A_887 = tpu.memref_slice %arg2[%add3A_4] : memref<16384xi32, #tpu.memory_space<hbm>> -> memref<128xi32, #tpu.memory_space<hbm>>
      tpu.enqueue_dma source(%dma_start3A_887 : memref<128xi32, #tpu.memory_space<hbm>>) target(%arg9 : memref<128xi32, #tpu.memory_space<vmem>>) target_semaphore(%run_scoped3A : memref<!tpu.dma_semaphore, #tpu.memory_space<semaphore_mem>>)
      %dma_wait3A_888 = tpu.memref_slice %arg2[%add3A_4] : memref<16384xi32, #tpu.memory_space<hbm>> -> memref<128xi32, #tpu.memory_space<hbm>>
      %dma_wait3A_889 = tpu.memref_slice %arg2[%add3A_4] : memref<16384xi32, #tpu.memory_space<hbm>> -> memref<128xi32, #tpu.memory_space<hbm>>
      tpu.wait_dma2 semaphore(%run_scoped3A : memref<!tpu.dma_semaphore, #tpu.memory_space<semaphore_mem>>) src(%dma_wait3A_889 : memref<128xi32, #tpu.memory_space<hbm>>) dst(%arg9 : memref<128xi32, #tpu.memory_space<vmem>>)
      tpu.yield
    }) : () -> ()
    %add3A_5 = arith.constant 0 : i32
    %add3A_6 = arith.addi %add3A_4, %add3A_5 : i32
    %add3A_7 = vector.broadcast %add3A_6 : i32 to vector<16xi32>
    %add3A_8 = arith.addi %add3A_7, %iota3A : vector<16xi32>
    %swap3A = arith.constant 0 : index
    %swap3A_9 = tpu.vector_load %arg11[%swap3A] {strides = array<i32>} : memref<128xi32, #tpu.memory_space<vmem>>, vector<16xi32>,
    %swap3A_10 = vector.shape_cast %swap3A_9 : vector<16xi32> to vector<16xi32>
    %swap3A_11 = vector.shape_cast %add3A_8 : vector<16xi32> to vector<16xi32>
    tpu.vector_store %arg11[%swap3A], %swap3A_11 {strides = array<i32>} : memref<128xi32, #tpu.memory_space<vmem>>, vector<16xi32>,
    %add3A_12 = arith.constant 16 : i32
    %add3A_13 = arith.addi %add3A_4, %add3A_12 : i32
    %add3A_14 = vector.broadcast %add3A_13 : i32 to vector<16xi32>
    %add3A_15 = arith.addi %add3A_14, %iota3A : vector<16xi32>
    %swap3A_16 = arith.constant 16 : index
    %swap3A_17 = tpu.vector_load %arg11[%swap3A_16] {strides = array<i32>} : memref<128xi32, #tpu.memory_space<vmem>>, vector<16xi32>,
    %swap3A_18 = vector.shape_cast %swap3A_17 : vector<16xi32> to vector<16xi32>
    %swap3A_19 = vector.shape_cast %add3A_15 : vector<16xi32> to vector<16xi32>
    tpu.vector_store %arg11[%swap3A_16], %swap3A_19 {strides = array<i32>} : memref<128xi32, #tpu.memory_space<vmem>>, vector<16xi32>,
    %add3A_20 = arith.constant 32 : i32
    %add3A_21 = arith.addi %add3A_4, %add3A_20 : i32
    %add3A_22 = vector.broadcast %add3A_21 : i32 to vector<16xi32>
    %add3A_23 = arith.addi %add3A_22, %iota3A : vector<16xi32>
    %swap3A_24 = arith.constant 32 : index
    %swap3A_25 = tpu.vector_load %arg11[%swap3A_24] {strides = array<i32>} : memref<128xi32, #tpu.memory_space<vmem>>, vector<16xi32>,
    %swap3A_26 = vector.shape_cast %swap3A_25 : vector<16xi32> to vector<16xi32>
    %swap3A_27 = vector.shape_cast %add3A_23 : vector<16xi32> to vector<16xi32>
    tpu.vector_store %arg11[%swap3A_24], %swap3A_27 {strides = array<i32>} : memref<128xi32, #tpu.memory_space<vmem>>, vector<16xi32>,
    %add3A_28 = arith.constant 48 : i32
    %add3A_29 = arith.addi %add3A_4, %add3A_28 : i32
    %add3A_30 = vector.broadcast %add3A_29 : i32 to vector<16xi32>
    %add3A_31 = arith.addi %add3A_30, %iota3A : vector<16xi32>
    %swap3A_32 = arith.constant 48 : index
    %swap3A_33 = tpu.vector_load %arg11[%swap3A_32] {strides = array<i32>} : memref<128xi32, #tpu.memory_space<vmem>>, vector<16xi32>,
    %swap3A_34 = vector.shape_cast %swap3A_33 : vector<16xi32> to vector<16xi32>
    %swap3A_35 = vector.shape_cast %add3A_31 : vector<16xi32> to vector<16xi32>
    tpu.vector_store %arg11[%swap3A_32], %swap3A_35 {strides = array<i32>} : memref<128xi32, #tpu.memory_space<vmem>>, vector<16xi32>,
    %add3A_36 = arith.constant 64 : i32
    %add3A_37 = arith.addi %add3A_4, %add3A_36 : i32
    %add3A_38 = vector.broadcast %add3A_37 : i32 to vector<16xi32>
    %add3A_39 = arith.addi %add3A_38, %iota3A : vector<16xi32>
    %swap3A_40 = arith.constant 64 : index
    %swap3A_41 = tpu.vector_load %arg11[%swap3A_40] {strides = array<i32>} : memref<128xi32, #tpu.memory_space<vmem>>, vector<16xi32>,
    %swap3A_42 = vector.shape_cast %swap3A_41 : vector<16xi32> to vector<16xi32>
    %swap3A_43 = vector.shape_cast %add3A_39 : vector<16xi32> to vector<16xi32>
    tpu.vector_store %arg11[%swap3A_40], %swap3A_43 {strides = array<i32>} : memref<128xi32, #tpu.memory_space<vmem>>, vector<16xi32>,
    %add3A_44 = arith.constant 80 : i32
    %add3A_45 = arith.addi %add3A_4, %add3A_44 : i32
    %add3A_46 = vector.broadcast %add3A_45 : i32 to vector<16xi32>
    %add3A_47 = arith.addi %add3A_46, %iota3A : vector<16xi32>
    %swap3A_48 = arith.constant 80 : index
    %swap3A_49 = tpu.vector_load %arg11[%swap3A_48] {strides = array<i32>} : memref<128xi32, #tpu.memory_space<vmem>>, vector<16xi32>,
    %swap3A_50 = vector.shape_cast %swap3A_49 : vector<16xi32> to vector<16xi32>
    %swap3A_51 = vector.shape_cast %add3A_47 : vector<16xi32> to vector<16xi32>
    tpu.vector_store %arg11[%swap3A_48], %swap3A_51 {strides = array<i32>} : memref<128xi32, #tpu.memory_space<vmem>>, vector<16xi32>,
    %add3A_52 = arith.constant 96 : i32
    %add3A_53 = arith.addi %add3A_4, %add3A_52 : i32
    %add3A_54 = vector.broadcast %add3A_53 : i32 to vector<16xi32>
    %add3A_55 = arith.addi %add3A_54, %iota3A : vector<16xi32>
    %swap3A_56 = arith.constant 96 : index
    %swap3A_57 = tpu.vector_load %arg11[%swap3A_56] {strides = array<i32>} : memref<128xi32, #tpu.memory_space<vmem>>, vector<16xi32>,
    %swap3A_58 = vector.shape_cast %swap3A_57 : vector<16xi32> to vector<16xi32>
    %swap3A_59 = vector.shape_cast %add3A_55 : vector<16xi32> to vector<16xi32>
    tpu.vector_store %arg11[%swap3A_56], %swap3A_59 {strides = array<i32>} : memref<128xi32, #tpu.memory_space<vmem>>, vector<16xi32>,
    %add3A_60 = arith.constant 112 : i32
    %add3A_61 = arith.addi %add3A_4, %add3A_60 : i32
    %add3A_62 = vector.broadcast %add3A_61 : i32 to vector<16xi32>
    %add3A_63 = arith.addi %add3A_62, %iota3A : vector<16xi32>
    %swap3A_64 = arith.constant 112 : index
    %swap3A_65 = tpu.vector_load %arg11[%swap3A_64] {strides = array<i32>} : memref<128xi32, #tpu.memory_space<vmem>>, vector<16xi32>,
    %swap3A_66 = vector.shape_cast %swap3A_65 : vector<16xi32> to vector<16xi32>
    %swap3A_67 = vector.shape_cast %add3A_63 : vector<16xi32> to vector<16xi32>
    tpu.vector_store %arg11[%swap3A_64], %swap3A_67 {strides = array<i32>} : memref<128xi32, #tpu.memory_space<vmem>>, vector<16xi32>,
    "tpu.region"() ({
      %run_scoped3A = tpu.sem_alloc : memref<!tpu.dma_semaphore, #tpu.memory_space<semaphore_mem>>
      %dma_start3A_886 = arith.constant 0 : i32
      %dma_start3A_887 = tpu.memref_slice %arg7[%dma_start3A_886] : memref<1000000xi32, #tpu.memory_space<hbm>> -> memref<1000000xi32, #tpu.memory_space<hbm>>
      tpu.enqueue_indirect_dma source(%arg11 : memref<128xi32, #tpu.memory_space<vmem>>) target(%dma_start3A_887 : memref<1000000xi32, #tpu.memory_space<hbm>>) offsets(%arg9 : memref<128xi32, #tpu.memory_space<vmem>>) semaphore(%run_scoped3A : memref<!tpu.dma_semaphore, #tpu.memory_space<semaphore_mem>>)
      %dma_wait3A_888 = arith.constant 0 : i32
      %dma_wait3A_889 = tpu.memref_slice %arg7[%dma_wait3A_888] : memref<1000000xi32, #tpu.memory_space<hbm>> -> memref<1000000xi32, #tpu.memory_space<hbm>>
      tpu.wait_indirect_dma semaphore(%run_scoped3A : memref<!tpu.dma_semaphore, #tpu.memory_space<semaphore_mem>>) src(%arg11 : memref<128xi32, #tpu.memory_space<vmem>>) dst(%dma_wait3A_889 : memref<1000000xi32, #tpu.memory_space<hbm>>)
      tpu.yield
    }) : () -> ()
    "tpu.region"() ({
      %run_scoped3A = tpu.sem_alloc : memref<!tpu.dma_semaphore, #tpu.memory_space<semaphore_mem>>
      %dma_start3A_886 = tpu.memref_slice %arg3[%add3A_4] : memref<16384xi32, #tpu.memory_space<hbm>> -> memref<128xi32, #tpu.memory_space<hbm>>
      %dma_start3A_887 = tpu.memref_slice %arg3[%add3A_4] : memref<16384xi32, #tpu.memory_space<hbm>> -> memref<128xi32, #tpu.memory_space<hbm>>
      tpu.enqueue_dma source(%dma_start3A_887 : memref<128xi32, #tpu.memory_space<hbm>>) target(%arg9 : memref<128xi32, #tpu.memory_space<vmem>>) target_semaphore(%run_scoped3A : memref<!tpu.dma_semaphore, #tpu.memory_space<semaphore_mem>>)
      %dma_wait3A_888 = tpu.memref_slice %arg3[%add3A_4] : memref<16384xi32, #tpu.memory_space<hbm>> -> memref<128xi32, #tpu.memory_space<hbm>>
      %dma_wait3A_889 = tpu.memref_slice %arg3[%add3A_4] : memref<16384xi32, #tpu.memory_space<hbm>> -> memref<128xi32, #tpu.memory_space<hbm>>
      tpu.wait_dma2 semaphore(%run_scoped3A : memref<!tpu.dma_semaphore, #tpu.memory_space<semaphore_mem>>) src(%dma_wait3A_889 : memref<128xi32, #tpu.memory_space<hbm>>) dst(%arg9 : memref<128xi32, #tpu.memory_space<vmem>>)
      tpu.yield
    }) : () -> ()
    %add3A_68 = arith.constant 16384 : i32
    %add3A_69 = arith.addi %add3A_68, %add3A_4 : i32
    %add3A_70 = arith.constant 0 : i32
    %add3A_71 = arith.addi %add3A_69, %add3A_70 : i32
    %add3A_72 = vector.broadcast %add3A_71 : i32 to vector<16xi32>
    %add3A_73 = arith.addi %add3A_72, %iota3A : vector<16xi32>
    %swap3A_74 = arith.constant 0 : index
    %swap3A_75 = tpu.vector_load %arg11[%swap3A_74] {strides = array<i32>} : memref<128xi32, #tpu.memory_space<vmem>>, vector<16xi32>,
    %swap3A_76 = vector.shape_cast %swap3A_75 : vector<16xi32> to vector<16xi32>
    %swap3A_77 = vector.shape_cast %add3A_73 : vector<16xi32> to vector<16xi32>
    tpu.vector_store %arg11[%swap3A_74], %swap3A_77 {strides = array<i32>} : memref<128xi32, #tpu.memory_space<vmem>>, vector<16xi32>,
    %add3A_78 = arith.constant 16384 : i32
    %add3A_79 = arith.addi %add3A_78, %add3A_4 : i32
    %add3A_80 = arith.constant 16 : i32
    %add3A_81 = arith.addi %add3A_79, %add3A_80 : i32
    %add3A_82 = vector.broadcast %add3A_81 : i32 to vector<16xi32>
    %add3A_83 = arith.addi %add3A_82, %iota3A : vector<16xi32>
    %swap3A_84 = arith.constant 16 : index
    %swap3A_85 = tpu.vector_load %arg11[%swap3A_84] {strides = array<i32>} : memref<128xi32, #tpu.memory_space<vmem>>, vector<16xi32>,
    %swap3A_86 = vector.shape_cast %swap3A_85 : vector<16xi32> to vector<16xi32>
    %swap3A_87 = vector.shape_cast %add3A_83 : vector<16xi32> to vector<16xi32>
    tpu.vector_store %arg11[%swap3A_84], %swap3A_87 {strides = array<i32>} : memref<128xi32, #tpu.memory_space<vmem>>, vector<16xi32>,
    %add3A_88 = arith.constant 16384 : i32
    %add3A_89 = arith.addi %add3A_88, %add3A_4 : i32
    %add3A_90 = arith.constant 32 : i32
    %add3A_91 = arith.addi %add3A_89, %add3A_90 : i32
    %add3A_92 = vector.broadcast %add3A_91 : i32 to vector<16xi32>
    %add3A_93 = arith.addi %add3A_92, %iota3A : vector<16xi32>
    %swap3A_94 = arith.constant 32 : index
    %swap3A_95 = tpu.vector_load %arg11[%swap3A_94] {strides = array<i32>} : memref<128xi32, #tpu.memory_space<vmem>>, vector<16xi32>,
    %swap3A_96 = vector.shape_cast %swap3A_95 : vector<16xi32> to vector<16xi32>
    %swap3A_97 = vector.shape_cast %add3A_93 : vector<16xi32> to vector<16xi32>
    tpu.vector_store %arg11[%swap3A_94], %swap3A_97 {strides = array<i32>} : memref<128xi32, #tpu.memory_space<vmem>>, vector<16xi32>,
    %add3A_98 = arith.constant 16384 : i32
    %add3A_99 = arith.addi %add3A_98, %add3A_4 : i32
    %add3A_100 = arith.constant 48 : i32
    %add3A_101 = arith.addi %add3A_99, %add3A_100 : i32
    %add3A_102 = vector.broadcast %add3A_101 : i32 to vector<16xi32>
    %add3A_103 = arith.addi %add3A_102, %iota3A : vector<16xi32>
    %swap3A_104 = arith.constant 48 : index
    %swap3A_105 = tpu.vector_load %arg11[%swap3A_104] {strides = array<i32>} : memref<128xi32, #tpu.memory_space<vmem>>, vector<16xi32>,
    %swap3A_106 = vector.shape_cast %swap3A_105 : vector<16xi32> to vector<16xi32>
    %swap3A_107 = vector.shape_cast %add3A_103 : vector<16xi32> to vector<16xi32>
    tpu.vector_store %arg11[%swap3A_104], %swap3A_107 {strides = array<i32>} : memref<128xi32, #tpu.memory_space<vmem>>, vector<16xi32>,
    %add3A_108 = arith.constant 16384 : i32
    %add3A_109 = arith.addi %add3A_108, %add3A_4 : i32
    %add3A_110 = arith.constant 64 : i32
    %add3A_111 = arith.addi %add3A_109, %add3A_110 : i32
    %add3A_112 = vector.broadcast %add3A_111 : i32 to vector<16xi32>
    %add3A_113 = arith.addi %add3A_112, %iota3A : vector<16xi32>
    %swap3A_114 = arith.constant 64 : index
    %swap3A_115 = tpu.vector_load %arg11[%swap3A_114] {strides = array<i32>} : memref<128xi32, #tpu.memory_space<vmem>>, vector<16xi32>,
    %swap3A_116 = vector.shape_cast %swap3A_115 : vector<16xi32> to vector<16xi32>
    %swap3A_117 = vector.shape_cast %add3A_113 : vector<16xi32> to vector<16xi32>
    tpu.vector_store %arg11[%swap3A_114], %swap3A_117 {strides = array<i32>} : memref<128xi32, #tpu.memory_space<vmem>>, vector<16xi32>,
    %add3A_118 = arith.constant 16384 : i32
    %add3A_119 = arith.addi %add3A_118, %add3A_4 : i32
    %add3A_120 = arith.constant 80 : i32
    %add3A_121 = arith.addi %add3A_119, %add3A_120 : i32
    %add3A_122 = vector.broadcast %add3A_121 : i32 to vector<16xi32>
    %add3A_123 = arith.addi %add3A_122, %iota3A : vector<16xi32>
    %swap3A_124 = arith.constant 80 : index
    %swap3A_125 = tpu.vector_load %arg11[%swap3A_124] {strides = array<i32>} : memref<128xi32, #tpu.memory_space<vmem>>, vector<16xi32>,
    %swap3A_126 = vector.shape_cast %swap3A_125 : vector<16xi32> to vector<16xi32>
    %swap3A_127 = vector.shape_cast %add3A_123 : vector<16xi32> to vector<16xi32>
    tpu.vector_store %arg11[%swap3A_124], %swap3A_127 {strides = array<i32>} : memref<128xi32, #tpu.memory_space<vmem>>, vector<16xi32>,
    %add3A_128 = arith.constant 16384 : i32
    %add3A_129 = arith.addi %add3A_128, %add3A_4 : i32
    %add3A_130 = arith.constant 96 : i32
    %add3A_131 = arith.addi %add3A_129, %add3A_130 : i32
    %add3A_132 = vector.broadcast %add3A_131 : i32 to vector<16xi32>
    %add3A_133 = arith.addi %add3A_132, %iota3A : vector<16xi32>
    %swap3A_134 = arith.constant 96 : index
    %swap3A_135 = tpu.vector_load %arg11[%swap3A_134] {strides = array<i32>} : memref<128xi32, #tpu.memory_space<vmem>>, vector<16xi32>,
    %swap3A_136 = vector.shape_cast %swap3A_135 : vector<16xi32> to vector<16xi32>
    %swap3A_137 = vector.shape_cast %add3A_133 : vector<16xi32> to vector<16xi32>
    tpu.vector_store %arg11[%swap3A_134], %swap3A_137 {strides = array<i32>} : memref<128xi32, #tpu.memory_space<vmem>>, vector<16xi32>,
    %add3A_138 = arith.constant 16384 : i32
    %add3A_139 = arith.addi %add3A_138, %add3A_4 : i32
    %add3A_140 = arith.constant 112 : i32
    %add3A_141 = arith.addi %add3A_139, %add3A_140 : i32
    %add3A_142 = vector.broadcast %add3A_141 : i32 to vector<16xi32>
    %add3A_143 = arith.addi %add3A_142, %iota3A : vector<16xi32>
    %swap3A_144 = arith.constant 112 : index
    %swap3A_145 = tpu.vector_load %arg11[%swap3A_144] {strides = array<i32>} : memref<128xi32, #tpu.memory_space<vmem>>, vector<16xi32>,
    %swap3A_146 = vector.shape_cast %swap3A_145 : vector<16xi32> to vector<16xi32>
    %swap3A_147 = vector.shape_cast %add3A_143 : vector<16xi32> to vector<16xi32>
    tpu.vector_store %arg11[%swap3A_144], %swap3A_147 {strides = array<i32>} : memref<128xi32, #tpu.memory_space<vmem>>, vector<16xi32>,
    "tpu.region"() ({
      %run_scoped3A = tpu.sem_alloc : memref<!tpu.dma_semaphore, #tpu.memory_space<semaphore_mem>>
      %dma_start3A_886 = arith.constant 0 : i32
      %dma_start3A_887 = tpu.memref_slice %arg7[%dma_start3A_886] : memref<1000000xi32, #tpu.memory_space<hbm>> -> memref<1000000xi32, #tpu.memory_space<hbm>>
      tpu.enqueue_indirect_dma source(%arg11 : memref<128xi32, #tpu.memory_space<vmem>>) target(%dma_start3A_887 : memref<1000000xi32, #tpu.memory_space<hbm>>) offsets(%arg9 : memref<128xi32, #tpu.memory_space<vmem>>) semaphore(%run_scoped3A : memref<!tpu.dma_semaphore, #tpu.memory_space<semaphore_mem>>)
      %dma_wait3A_888 = arith.constant 0 : i32
      %dma_wait3A_889 = tpu.memref_slice %arg7[%dma_wait3A_888] : memref<1000000xi32, #tpu.memory_space<hbm>> -> memref<1000000xi32, #tpu.memory_space<hbm>>
      tpu.wait_indirect_dma semaphore(%run_scoped3A : memref<!tpu.dma_semaphore, #tpu.memory_space<semaphore_mem>>) src(%arg11 : memref<128xi32, #tpu.memory_space<vmem>>) dst(%dma_wait3A_889 : memref<1000000xi32, #tpu.memory_space<hbm>>)
      tpu.yield
    }) : () -> ()
    %mul3A_148 = arith.constant 512 : i32
    %mul3A_149 = arith.muli %add3A, %mul3A_148 : i32
    %add3A_150 = arith.constant 128 : i32
    %add3A_151 = arith.addi %mul3A_149, %add3A_150 : i32
    "tpu.region"() ({
      %run_scoped3A = tpu.sem_alloc : memref<!tpu.dma_semaphore, #tpu.memory_space<semaphore_mem>>
      %dma_start3A_886 = tpu.memref_slice %arg2[%add3A_151] : memref<16384xi32, #tpu.memory_space<hbm>> -> memref<128xi32, #tpu.memory_space<hbm>>
      %dma_start3A_887 = tpu.memref_slice %arg2[%add3A_151] : memref<16384xi32, #tpu.memory_space<hbm>> -> memref<128xi32, #tpu.memory_space<hbm>>
      tpu.enqueue_dma source(%dma_start3A_887 : memref<128xi32, #tpu.memory_space<hbm>>) target(%arg9 : memref<128xi32, #tpu.memory_space<vmem>>) target_semaphore(%run_scoped3A : memref<!tpu.dma_semaphore, #tpu.memory_space<semaphore_mem>>)
      %dma_wait3A_888 = tpu.memref_slice %arg2[%add3A_151] : memref<16384xi32, #tpu.memory_space<hbm>> -> memref<128xi32, #tpu.memory_space<hbm>>
      %dma_wait3A_889 = tpu.memref_slice %arg2[%add3A_151] : memref<16384xi32, #tpu.memory_space<hbm>> -> memref<128xi32, #tpu.memory_space<hbm>>
      tpu.wait_dma2 semaphore(%run_scoped3A : memref<!tpu.dma_semaphore, #tpu.memory_space<semaphore_mem>>) src(%dma_wait3A_889 : memref<128xi32, #tpu.memory_space<hbm>>) dst(%arg9 : memref<128xi32, #tpu.memory_space<vmem>>)
      tpu.yield
    }) : () -> ()
    %add3A_152 = arith.constant 0 : i32
    %add3A_153 = arith.addi %add3A_151, %add3A_152 : i32
    %add3A_154 = vector.broadcast %add3A_153 : i32 to vector<16xi32>
    %add3A_155 = arith.addi %add3A_154, %iota3A : vector<16xi32>
    %swap3A_156 = arith.constant 0 : index
    %swap3A_157 = tpu.vector_load %arg11[%swap3A_156] {strides = array<i32>} : memref<128xi32, #tpu.memory_space<vmem>>, vector<16xi32>,
    %swap3A_158 = vector.shape_cast %swap3A_157 : vector<16xi32> to vector<16xi32>
    %swap3A_159 = vector.shape_cast %add3A_155 : vector<16xi32> to vector<16xi32>
    tpu.vector_store %arg11[%swap3A_156], %swap3A_159 {strides = array<i32>} : memref<128xi32, #tpu.memory_space<vmem>>, vector<16xi32>,
    %add3A_160 = arith.constant 16 : i32
    %add3A_161 = arith.addi %add3A_151, %add3A_160 : i32
    %add3A_162 = vector.broadcast %add3A_161 : i32 to vector<16xi32>
    %add3A_163 = arith.addi %add3A_162, %iota3A : vector<16xi32>
    %swap3A_164 = arith.constant 16 : index
    %swap3A_165 = tpu.vector_load %arg11[%swap3A_164] {strides = array<i32>} : memref<128xi32, #tpu.memory_space<vmem>>, vector<16xi32>,
    %swap3A_166 = vector.shape_cast %swap3A_165 : vector<16xi32> to vector<16xi32>
    %swap3A_167 = vector.shape_cast %add3A_163 : vector<16xi32> to vector<16xi32>
    tpu.vector_store %arg11[%swap3A_164], %swap3A_167 {strides = array<i32>} : memref<128xi32, #tpu.memory_space<vmem>>, vector<16xi32>,
    %add3A_168 = arith.constant 32 : i32
    %add3A_169 = arith.addi %add3A_151, %add3A_168 : i32
    %add3A_170 = vector.broadcast %add3A_169 : i32 to vector<16xi32>
    %add3A_171 = arith.addi %add3A_170, %iota3A : vector<16xi32>
    %swap3A_172 = arith.constant 32 : index
    %swap3A_173 = tpu.vector_load %arg11[%swap3A_172] {strides = array<i32>} : memref<128xi32, #tpu.memory_space<vmem>>, vector<16xi32>,
    %swap3A_174 = vector.shape_cast %swap3A_173 : vector<16xi32> to vector<16xi32>
    %swap3A_175 = vector.shape_cast %add3A_171 : vector<16xi32> to vector<16xi32>
    tpu.vector_store %arg11[%swap3A_172], %swap3A_175 {strides = array<i32>} : memref<128xi32, #tpu.memory_space<vmem>>, vector<16xi32>,
    %add3A_176 = arith.constant 48 : i32
    %add3A_177 = arith.addi %add3A_151, %add3A_176 : i32
    %add3A_178 = vector.broadcast %add3A_177 : i32 to vector<16xi32>
    %add3A_179 = arith.addi %add3A_178, %iota3A : vector<16xi32>
    %swap3A_180 = arith.constant 48 : index
    %swap3A_181 = tpu.vector_load %arg11[%swap3A_180] {strides = array<i32>} : memref<128xi32, #tpu.memory_space<vmem>>, vector<16xi32>,
    %swap3A_182 = vector.shape_cast %swap3A_181 : vector<16xi32> to vector<16xi32>
    %swap3A_183 = vector.shape_cast %add3A_179 : vector<16xi32> to vector<16xi32>
    tpu.vector_store %arg11[%swap3A_180], %swap3A_183 {strides = array<i32>} : memref<128xi32, #tpu.memory_space<vmem>>, vector<16xi32>,
    %add3A_184 = arith.constant 64 : i32
    %add3A_185 = arith.addi %add3A_151, %add3A_184 : i32
    %add3A_186 = vector.broadcast %add3A_185 : i32 to vector<16xi32>
    %add3A_187 = arith.addi %add3A_186, %iota3A : vector<16xi32>
    %swap3A_188 = arith.constant 64 : index
    %swap3A_189 = tpu.vector_load %arg11[%swap3A_188] {strides = array<i32>} : memref<128xi32, #tpu.memory_space<vmem>>, vector<16xi32>,
    %swap3A_190 = vector.shape_cast %swap3A_189 : vector<16xi32> to vector<16xi32>
    %swap3A_191 = vector.shape_cast %add3A_187 : vector<16xi32> to vector<16xi32>
    tpu.vector_store %arg11[%swap3A_188], %swap3A_191 {strides = array<i32>} : memref<128xi32, #tpu.memory_space<vmem>>, vector<16xi32>,
    %add3A_192 = arith.constant 80 : i32
    %add3A_193 = arith.addi %add3A_151, %add3A_192 : i32
    %add3A_194 = vector.broadcast %add3A_193 : i32 to vector<16xi32>
    %add3A_195 = arith.addi %add3A_194, %iota3A : vector<16xi32>
    %swap3A_196 = arith.constant 80 : index
    %swap3A_197 = tpu.vector_load %arg11[%swap3A_196] {strides = array<i32>} : memref<128xi32, #tpu.memory_space<vmem>>, vector<16xi32>,
    %swap3A_198 = vector.shape_cast %swap3A_197 : vector<16xi32> to vector<16xi32>
    %swap3A_199 = vector.shape_cast %add3A_195 : vector<16xi32> to vector<16xi32>
    tpu.vector_store %arg11[%swap3A_196], %swap3A_199 {strides = array<i32>} : memref<128xi32, #tpu.memory_space<vmem>>, vector<16xi32>,
    %add3A_200 = arith.constant 96 : i32
    %add3A_201 = arith.addi %add3A_151, %add3A_200 : i32
    %add3A_202 = vector.broadcast %add3A_201 : i32 to vector<16xi32>
    %add3A_203 = arith.addi %add3A_202, %iota3A : vector<16xi32>
    %swap3A_204 = arith.constant 96 : index
    %swap3A_205 = tpu.vector_load %arg11[%swap3A_204] {strides = array<i32>} : memref<128xi32, #tpu.memory_space<vmem>>, vector<16xi32>,
    %swap3A_206 = vector.shape_cast %swap3A_205 : vector<16xi32> to vector<16xi32>
    %swap3A_207 = vector.shape_cast %add3A_203 : vector<16xi32> to vector<16xi32>
    tpu.vector_store %arg11[%swap3A_204], %swap3A_207 {strides = array<i32>} : memref<128xi32, #tpu.memory_space<vmem>>, vector<16xi32>,
    %add3A_208 = arith.constant 112 : i32
    %add3A_209 = arith.addi %add3A_151, %add3A_208 : i32
    %add3A_210 = vector.broadcast %add3A_209 : i32 to vector<16xi32>
    %add3A_211 = arith.addi %add3A_210, %iota3A : vector<16xi32>
    %swap3A_212 = arith.constant 112 : index
    %swap3A_213 = tpu.vector_load %arg11[%swap3A_212] {strides = array<i32>} : memref<128xi32, #tpu.memory_space<vmem>>, vector<16xi32>,
    %swap3A_214 = vector.shape_cast %swap3A_213 : vector<16xi32> to vector<16xi32>
    %swap3A_215 = vector.shape_cast %add3A_211 : vector<16xi32> to vector<16xi32>
    tpu.vector_store %arg11[%swap3A_212], %swap3A_215 {strides = array<i32>} : memref<128xi32, #tpu.memory_space<vmem>>, vector<16xi32>,
    "tpu.region"() ({
      %run_scoped3A = tpu.sem_alloc : memref<!tpu.dma_semaphore, #tpu.memory_space<semaphore_mem>>
      %dma_start3A_886 = arith.constant 0 : i32
      %dma_start3A_887 = tpu.memref_slice %arg7[%dma_start3A_886] : memref<1000000xi32, #tpu.memory_space<hbm>> -> memref<1000000xi32, #tpu.memory_space<hbm>>
      tpu.enqueue_indirect_dma source(%arg11 : memref<128xi32, #tpu.memory_space<vmem>>) target(%dma_start3A_887 : memref<1000000xi32, #tpu.memory_space<hbm>>) offsets(%arg9 : memref<128xi32, #tpu.memory_space<vmem>>) semaphore(%run_scoped3A : memref<!tpu.dma_semaphore, #tpu.memory_space<semaphore_mem>>)
      %dma_wait3A_888 = arith.constant 0 : i32
      %dma_wait3A_889 = tpu.memref_slice %arg7[%dma_wait3A_888] : memref<1000000xi32, #tpu.memory_space<hbm>> -> memref<1000000xi32, #tpu.memory_space<hbm>>
      tpu.wait_indirect_dma semaphore(%run_scoped3A : memref<!tpu.dma_semaphore, #tpu.memory_space<semaphore_mem>>) src(%arg11 : memref<128xi32, #tpu.memory_space<vmem>>) dst(%dma_wait3A_889 : memref<1000000xi32, #tpu.memory_space<hbm>>)
      tpu.yield
    }) : () -> ()
    "tpu.region"() ({
      %run_scoped3A = tpu.sem_alloc : memref<!tpu.dma_semaphore, #tpu.memory_space<semaphore_mem>>
      %dma_start3A_886 = tpu.memref_slice %arg3[%add3A_151] : memref<16384xi32, #tpu.memory_space<hbm>> -> memref<128xi32, #tpu.memory_space<hbm>>
      %dma_start3A_887 = tpu.memref_slice %arg3[%add3A_151] : memref<16384xi32, #tpu.memory_space<hbm>> -> memref<128xi32, #tpu.memory_space<hbm>>
      tpu.enqueue_dma source(%dma_start3A_887 : memref<128xi32, #tpu.memory_space<hbm>>) target(%arg9 : memref<128xi32, #tpu.memory_space<vmem>>) target_semaphore(%run_scoped3A : memref<!tpu.dma_semaphore, #tpu.memory_space<semaphore_mem>>)
      %dma_wait3A_888 = tpu.memref_slice %arg3[%add3A_151] : memref<16384xi32, #tpu.memory_space<hbm>> -> memref<128xi32, #tpu.memory_space<hbm>>
      %dma_wait3A_889 = tpu.memref_slice %arg3[%add3A_151] : memref<16384xi32, #tpu.memory_space<hbm>> -> memref<128xi32, #tpu.memory_space<hbm>>
      tpu.wait_dma2 semaphore(%run_scoped3A : memref<!tpu.dma_semaphore, #tpu.memory_space<semaphore_mem>>) src(%dma_wait3A_889 : memref<128xi32, #tpu.memory_space<hbm>>) dst(%arg9 : memref<128xi32, #tpu.memory_space<vmem>>)
      tpu.yield
    }) : () -> ()
    %add3A_216 = arith.constant 16384 : i32
    %add3A_217 = arith.addi %add3A_216, %add3A_151 : i32
    %add3A_218 = arith.constant 0 : i32
    %add3A_219 = arith.addi %add3A_217, %add3A_218 : i32
    %add3A_220 = vector.broadcast %add3A_219 : i32 to vector<16xi32>
    %add3A_221 = arith.addi %add3A_220, %iota3A : vector<16xi32>
    %swap3A_222 = arith.constant 0 : index
    %swap3A_223 = tpu.vector_load %arg11[%swap3A_222] {strides = array<i32>} : memref<128xi32, #tpu.memory_space<vmem>>, vector<16xi32>,
    %swap3A_224 = vector.shape_cast %swap3A_223 : vector<16xi32> to vector<16xi32>
    %swap3A_225 = vector.shape_cast %add3A_221 : vector<16xi32> to vector<16xi32>
    tpu.vector_store %arg11[%swap3A_222], %swap3A_225 {strides = array<i32>} : memref<128xi32, #tpu.memory_space<vmem>>, vector<16xi32>,
    %add3A_226 = arith.constant 16384 : i32
    %add3A_227 = arith.addi %add3A_226, %add3A_151 : i32
    %add3A_228 = arith.constant 16 : i32
    %add3A_229 = arith.addi %add3A_227, %add3A_228 : i32
    %add3A_230 = vector.broadcast %add3A_229 : i32 to vector<16xi32>
    %add3A_231 = arith.addi %add3A_230, %iota3A : vector<16xi32>
    %swap3A_232 = arith.constant 16 : index
    %swap3A_233 = tpu.vector_load %arg11[%swap3A_232] {strides = array<i32>} : memref<128xi32, #tpu.memory_space<vmem>>, vector<16xi32>,
    %swap3A_234 = vector.shape_cast %swap3A_233 : vector<16xi32> to vector<16xi32>
    %swap3A_235 = vector.shape_cast %add3A_231 : vector<16xi32> to vector<16xi32>
    tpu.vector_store %arg11[%swap3A_232], %swap3A_235 {strides = array<i32>} : memref<128xi32, #tpu.memory_space<vmem>>, vector<16xi32>,
    %add3A_236 = arith.constant 16384 : i32
    %add3A_237 = arith.addi %add3A_236, %add3A_151 : i32
    %add3A_238 = arith.constant 32 : i32
    %add3A_239 = arith.addi %add3A_237, %add3A_238 : i32
    %add3A_240 = vector.broadcast %add3A_239 : i32 to vector<16xi32>
    %add3A_241 = arith.addi %add3A_240, %iota3A : vector<16xi32>
    %swap3A_242 = arith.constant 32 : index
    %swap3A_243 = tpu.vector_load %arg11[%swap3A_242] {strides = array<i32>} : memref<128xi32, #tpu.memory_space<vmem>>, vector<16xi32>,
    %swap3A_244 = vector.shape_cast %swap3A_243 : vector<16xi32> to vector<16xi32>
    %swap3A_245 = vector.shape_cast %add3A_241 : vector<16xi32> to vector<16xi32>
    tpu.vector_store %arg11[%swap3A_242], %swap3A_245 {strides = array<i32>} : memref<128xi32, #tpu.memory_space<vmem>>, vector<16xi32>,
    %add3A_246 = arith.constant 16384 : i32
    %add3A_247 = arith.addi %add3A_246, %add3A_151 : i32
    %add3A_248 = arith.constant 48 : i32
    %add3A_249 = arith.addi %add3A_247, %add3A_248 : i32
    %add3A_250 = vector.broadcast %add3A_249 : i32 to vector<16xi32>
    %add3A_251 = arith.addi %add3A_250, %iota3A : vector<16xi32>
    %swap3A_252 = arith.constant 48 : index
    %swap3A_253 = tpu.vector_load %arg11[%swap3A_252] {strides = array<i32>} : memref<128xi32, #tpu.memory_space<vmem>>, vector<16xi32>,
    %swap3A_254 = vector.shape_cast %swap3A_253 : vector<16xi32> to vector<16xi32>
    %swap3A_255 = vector.shape_cast %add3A_251 : vector<16xi32> to vector<16xi32>
    tpu.vector_store %arg11[%swap3A_252], %swap3A_255 {strides = array<i32>} : memref<128xi32, #tpu.memory_space<vmem>>, vector<16xi32>,
    %add3A_256 = arith.constant 16384 : i32
    %add3A_257 = arith.addi %add3A_256, %add3A_151 : i32
    %add3A_258 = arith.constant 64 : i32
    %add3A_259 = arith.addi %add3A_257, %add3A_258 : i32
    %add3A_260 = vector.broadcast %add3A_259 : i32 to vector<16xi32>
    %add3A_261 = arith.addi %add3A_260, %iota3A : vector<16xi32>
    %swap3A_262 = arith.constant 64 : index
    %swap3A_263 = tpu.vector_load %arg11[%swap3A_262] {strides = array<i32>} : memref<128xi32, #tpu.memory_space<vmem>>, vector<16xi32>,
    %swap3A_264 = vector.shape_cast %swap3A_263 : vector<16xi32> to vector<16xi32>
    %swap3A_265 = vector.shape_cast %add3A_261 : vector<16xi32> to vector<16xi32>
    tpu.vector_store %arg11[%swap3A_262], %swap3A_265 {strides = array<i32>} : memref<128xi32, #tpu.memory_space<vmem>>, vector<16xi32>,
    %add3A_266 = arith.constant 16384 : i32
    %add3A_267 = arith.addi %add3A_266, %add3A_151 : i32
    %add3A_268 = arith.constant 80 : i32
    %add3A_269 = arith.addi %add3A_267, %add3A_268 : i32
    %add3A_270 = vector.broadcast %add3A_269 : i32 to vector<16xi32>
    %add3A_271 = arith.addi %add3A_270, %iota3A : vector<16xi32>
    %swap3A_272 = arith.constant 80 : index
    %swap3A_273 = tpu.vector_load %arg11[%swap3A_272] {strides = array<i32>} : memref<128xi32, #tpu.memory_space<vmem>>, vector<16xi32>,
    %swap3A_274 = vector.shape_cast %swap3A_273 : vector<16xi32> to vector<16xi32>
    %swap3A_275 = vector.shape_cast %add3A_271 : vector<16xi32> to vector<16xi32>
    tpu.vector_store %arg11[%swap3A_272], %swap3A_275 {strides = array<i32>} : memref<128xi32, #tpu.memory_space<vmem>>, vector<16xi32>,
    %add3A_276 = arith.constant 16384 : i32
    %add3A_277 = arith.addi %add3A_276, %add3A_151 : i32
    %add3A_278 = arith.constant 96 : i32
    %add3A_279 = arith.addi %add3A_277, %add3A_278 : i32
    %add3A_280 = vector.broadcast %add3A_279 : i32 to vector<16xi32>
    %add3A_281 = arith.addi %add3A_280, %iota3A : vector<16xi32>
    %swap3A_282 = arith.constant 96 : index
    %swap3A_283 = tpu.vector_load %arg11[%swap3A_282] {strides = array<i32>} : memref<128xi32, #tpu.memory_space<vmem>>, vector<16xi32>,
    %swap3A_284 = vector.shape_cast %swap3A_283 : vector<16xi32> to vector<16xi32>
    %swap3A_285 = vector.shape_cast %add3A_281 : vector<16xi32> to vector<16xi32>
    tpu.vector_store %arg11[%swap3A_282], %swap3A_285 {strides = array<i32>} : memref<128xi32, #tpu.memory_space<vmem>>, vector<16xi32>,
    %add3A_286 = arith.constant 16384 : i32
    %add3A_287 = arith.addi %add3A_286, %add3A_151 : i32
    %add3A_288 = arith.constant 112 : i32
    %add3A_289 = arith.addi %add3A_287, %add3A_288 : i32
    %add3A_290 = vector.broadcast %add3A_289 : i32 to vector<16xi32>
    %add3A_291 = arith.addi %add3A_290, %iota3A : vector<16xi32>
    %swap3A_292 = arith.constant 112 : index
    %swap3A_293 = tpu.vector_load %arg11[%swap3A_292] {strides = array<i32>} : memref<128xi32, #tpu.memory_space<vmem>>, vector<16xi32>,
    %swap3A_294 = vector.shape_cast %swap3A_293 : vector<16xi32> to vector<16xi32>
    %swap3A_295 = vector.shape_cast %add3A_291 : vector<16xi32> to vector<16xi32>
    tpu.vector_store %arg11[%swap3A_292], %swap3A_295 {strides = array<i32>} : memref<128xi32, #tpu.memory_space<vmem>>, vector<16xi32>,
    "tpu.region"() ({
      %run_scoped3A = tpu.sem_alloc : memref<!tpu.dma_semaphore, #tpu.memory_space<semaphore_mem>>
      %dma_start3A_886 = arith.constant 0 : i32
      %dma_start3A_887 = tpu.memref_slice %arg7[%dma_start3A_886] : memref<1000000xi32, #tpu.memory_space<hbm>> -> memref<1000000xi32, #tpu.memory_space<hbm>>
      tpu.enqueue_indirect_dma source(%arg11 : memref<128xi32, #tpu.memory_space<vmem>>) target(%dma_start3A_887 : memref<1000000xi32, #tpu.memory_space<hbm>>) offsets(%arg9 : memref<128xi32, #tpu.memory_space<vmem>>) semaphore(%run_scoped3A : memref<!tpu.dma_semaphore, #tpu.memory_space<semaphore_mem>>)
      %dma_wait3A_888 = arith.constant 0 : i32
      %dma_wait3A_889 = tpu.memref_slice %arg7[%dma_wait3A_888] : memref<1000000xi32, #tpu.memory_space<hbm>> -> memref<1000000xi32, #tpu.memory_space<hbm>>
      tpu.wait_indirect_dma semaphore(%run_scoped3A : memref<!tpu.dma_semaphore, #tpu.memory_space<semaphore_mem>>) src(%arg11 : memref<128xi32, #tpu.memory_space<vmem>>) dst(%dma_wait3A_889 : memref<1000000xi32, #tpu.memory_space<hbm>>)
      tpu.yield
    }) : () -> ()
    %mul3A_296 = arith.constant 512 : i32
    %mul3A_297 = arith.muli %add3A, %mul3A_296 : i32
    %add3A_298 = arith.constant 256 : i32
    %add3A_299 = arith.addi %mul3A_297, %add3A_298 : i32
    "tpu.region"() ({
      %run_scoped3A = tpu.sem_alloc : memref<!tpu.dma_semaphore, #tpu.memory_space<semaphore_mem>>
      %dma_start3A_886 = tpu.memref_slice %arg2[%add3A_299] : memref<16384xi32, #tpu.memory_space<hbm>> -> memref<128xi32, #tpu.memory_space<hbm>>
      %dma_start3A_887 = tpu.memref_slice %arg2[%add3A_299] : memref<16384xi32, #tpu.memory_space<hbm>> -> memref<128xi32, #tpu.memory_space<hbm>>
      tpu.enqueue_dma source(%dma_start3A_887 : memref<128xi32, #tpu.memory_space<hbm>>) target(%arg9 : memref<128xi32, #tpu.memory_space<vmem>>) target_semaphore(%run_scoped3A : memref<!tpu.dma_semaphore, #tpu.memory_space<semaphore_mem>>)
      %dma_wait3A_888 = tpu.memref_slice %arg2[%add3A_299] : memref<16384xi32, #tpu.memory_space<hbm>> -> memref<128xi32, #tpu.memory_space<hbm>>
      %dma_wait3A_889 = tpu.memref_slice %arg2[%add3A_299] : memref<16384xi32, #tpu.memory_space<hbm>> -> memref<128xi32, #tpu.memory_space<hbm>>
      tpu.wait_dma2 semaphore(%run_scoped3A : memref<!tpu.dma_semaphore, #tpu.memory_space<semaphore_mem>>) src(%dma_wait3A_889 : memref<128xi32, #tpu.memory_space<hbm>>) dst(%arg9 : memref<128xi32, #tpu.memory_space<vmem>>)
      tpu.yield
    }) : () -> ()
    %add3A_300 = arith.constant 0 : i32
    %add3A_301 = arith.addi %add3A_299, %add3A_300 : i32
    %add3A_302 = vector.broadcast %add3A_301 : i32 to vector<16xi32>
    %add3A_303 = arith.addi %add3A_302, %iota3A : vector<16xi32>
    %swap3A_304 = arith.constant 0 : index
    %swap3A_305 = tpu.vector_load %arg11[%swap3A_304] {strides = array<i32>} : memref<128xi32, #tpu.memory_space<vmem>>, vector<16xi32>,
    %swap3A_306 = vector.shape_cast %swap3A_305 : vector<16xi32> to vector<16xi32>
    %swap3A_307 = vector.shape_cast %add3A_303 : vector<16xi32> to vector<16xi32>
    tpu.vector_store %arg11[%swap3A_304], %swap3A_307 {strides = array<i32>} : memref<128xi32, #tpu.memory_space<vmem>>, vector<16xi32>,
    %add3A_308 = arith.constant 16 : i32
    %add3A_309 = arith.addi %add3A_299, %add3A_308 : i32
    %add3A_310 = vector.broadcast %add3A_309 : i32 to vector<16xi32>
    %add3A_311 = arith.addi %add3A_310, %iota3A : vector<16xi32>
    %swap3A_312 = arith.constant 16 : index
    %swap3A_313 = tpu.vector_load %arg11[%swap3A_312] {strides = array<i32>} : memref<128xi32, #tpu.memory_space<vmem>>, vector<16xi32>,
    %swap3A_314 = vector.shape_cast %swap3A_313 : vector<16xi32> to vector<16xi32>
    %swap3A_315 = vector.shape_cast %add3A_311 : vector<16xi32> to vector<16xi32>
    tpu.vector_store %arg11[%swap3A_312], %swap3A_315 {strides = array<i32>} : memref<128xi32, #tpu.memory_space<vmem>>, vector<16xi32>,
    %add3A_316 = arith.constant 32 : i32
    %add3A_317 = arith.addi %add3A_299, %add3A_316 : i32
    %add3A_318 = vector.broadcast %add3A_317 : i32 to vector<16xi32>
    %add3A_319 = arith.addi %add3A_318, %iota3A : vector<16xi32>
    %swap3A_320 = arith.constant 32 : index
    %swap3A_321 = tpu.vector_load %arg11[%swap3A_320] {strides = array<i32>} : memref<128xi32, #tpu.memory_space<vmem>>, vector<16xi32>,
    %swap3A_322 = vector.shape_cast %swap3A_321 : vector<16xi32> to vector<16xi32>
    %swap3A_323 = vector.shape_cast %add3A_319 : vector<16xi32> to vector<16xi32>
    tpu.vector_store %arg11[%swap3A_320], %swap3A_323 {strides = array<i32>} : memref<128xi32, #tpu.memory_space<vmem>>, vector<16xi32>,
    %add3A_324 = arith.constant 48 : i32
    %add3A_325 = arith.addi %add3A_299, %add3A_324 : i32
    %add3A_326 = vector.broadcast %add3A_325 : i32 to vector<16xi32>
    %add3A_327 = arith.addi %add3A_326, %iota3A : vector<16xi32>
    %swap3A_328 = arith.constant 48 : index
    %swap3A_329 = tpu.vector_load %arg11[%swap3A_328] {strides = array<i32>} : memref<128xi32, #tpu.memory_space<vmem>>, vector<16xi32>,
    %swap3A_330 = vector.shape_cast %swap3A_329 : vector<16xi32> to vector<16xi32>
    %swap3A_331 = vector.shape_cast %add3A_327 : vector<16xi32> to vector<16xi32>
    tpu.vector_store %arg11[%swap3A_328], %swap3A_331 {strides = array<i32>} : memref<128xi32, #tpu.memory_space<vmem>>, vector<16xi32>,
    %add3A_332 = arith.constant 64 : i32
    %add3A_333 = arith.addi %add3A_299, %add3A_332 : i32
    %add3A_334 = vector.broadcast %add3A_333 : i32 to vector<16xi32>
    %add3A_335 = arith.addi %add3A_334, %iota3A : vector<16xi32>
    %swap3A_336 = arith.constant 64 : index
    %swap3A_337 = tpu.vector_load %arg11[%swap3A_336] {strides = array<i32>} : memref<128xi32, #tpu.memory_space<vmem>>, vector<16xi32>,
    %swap3A_338 = vector.shape_cast %swap3A_337 : vector<16xi32> to vector<16xi32>
    %swap3A_339 = vector.shape_cast %add3A_335 : vector<16xi32> to vector<16xi32>
    tpu.vector_store %arg11[%swap3A_336], %swap3A_339 {strides = array<i32>} : memref<128xi32, #tpu.memory_space<vmem>>, vector<16xi32>,
    %add3A_340 = arith.constant 80 : i32
    %add3A_341 = arith.addi %add3A_299, %add3A_340 : i32
    %add3A_342 = vector.broadcast %add3A_341 : i32 to vector<16xi32>
    %add3A_343 = arith.addi %add3A_342, %iota3A : vector<16xi32>
    %swap3A_344 = arith.constant 80 : index
    %swap3A_345 = tpu.vector_load %arg11[%swap3A_344] {strides = array<i32>} : memref<128xi32, #tpu.memory_space<vmem>>, vector<16xi32>,
    %swap3A_346 = vector.shape_cast %swap3A_345 : vector<16xi32> to vector<16xi32>
    %swap3A_347 = vector.shape_cast %add3A_343 : vector<16xi32> to vector<16xi32>
    tpu.vector_store %arg11[%swap3A_344], %swap3A_347 {strides = array<i32>} : memref<128xi32, #tpu.memory_space<vmem>>, vector<16xi32>,
    %add3A_348 = arith.constant 96 : i32
    %add3A_349 = arith.addi %add3A_299, %add3A_348 : i32
    %add3A_350 = vector.broadcast %add3A_349 : i32 to vector<16xi32>
    %add3A_351 = arith.addi %add3A_350, %iota3A : vector<16xi32>
    %swap3A_352 = arith.constant 96 : index
    %swap3A_353 = tpu.vector_load %arg11[%swap3A_352] {strides = array<i32>} : memref<128xi32, #tpu.memory_space<vmem>>, vector<16xi32>,
    %swap3A_354 = vector.shape_cast %swap3A_353 : vector<16xi32> to vector<16xi32>
    %swap3A_355 = vector.shape_cast %add3A_351 : vector<16xi32> to vector<16xi32>
    tpu.vector_store %arg11[%swap3A_352], %swap3A_355 {strides = array<i32>} : memref<128xi32, #tpu.memory_space<vmem>>, vector<16xi32>,
    %add3A_356 = arith.constant 112 : i32
    %add3A_357 = arith.addi %add3A_299, %add3A_356 : i32
    %add3A_358 = vector.broadcast %add3A_357 : i32 to vector<16xi32>
    %add3A_359 = arith.addi %add3A_358, %iota3A : vector<16xi32>
    %swap3A_360 = arith.constant 112 : index
    %swap3A_361 = tpu.vector_load %arg11[%swap3A_360] {strides = array<i32>} : memref<128xi32, #tpu.memory_space<vmem>>, vector<16xi32>,
    %swap3A_362 = vector.shape_cast %swap3A_361 : vector<16xi32> to vector<16xi32>
    %swap3A_363 = vector.shape_cast %add3A_359 : vector<16xi32> to vector<16xi32>
    tpu.vector_store %arg11[%swap3A_360], %swap3A_363 {strides = array<i32>} : memref<128xi32, #tpu.memory_space<vmem>>, vector<16xi32>,
    "tpu.region"() ({
      %run_scoped3A = tpu.sem_alloc : memref<!tpu.dma_semaphore, #tpu.memory_space<semaphore_mem>>
      %dma_start3A_886 = arith.constant 0 : i32
      %dma_start3A_887 = tpu.memref_slice %arg7[%dma_start3A_886] : memref<1000000xi32, #tpu.memory_space<hbm>> -> memref<1000000xi32, #tpu.memory_space<hbm>>
      tpu.enqueue_indirect_dma source(%arg11 : memref<128xi32, #tpu.memory_space<vmem>>) target(%dma_start3A_887 : memref<1000000xi32, #tpu.memory_space<hbm>>) offsets(%arg9 : memref<128xi32, #tpu.memory_space<vmem>>) semaphore(%run_scoped3A : memref<!tpu.dma_semaphore, #tpu.memory_space<semaphore_mem>>)
      %dma_wait3A_888 = arith.constant 0 : i32
      %dma_wait3A_889 = tpu.memref_slice %arg7[%dma_wait3A_888] : memref<1000000xi32, #tpu.memory_space<hbm>> -> memref<1000000xi32, #tpu.memory_space<hbm>>
      tpu.wait_indirect_dma semaphore(%run_scoped3A : memref<!tpu.dma_semaphore, #tpu.memory_space<semaphore_mem>>) src(%arg11 : memref<128xi32, #tpu.memory_space<vmem>>) dst(%dma_wait3A_889 : memref<1000000xi32, #tpu.memory_space<hbm>>)
      tpu.yield
    }) : () -> ()
    "tpu.region"() ({
      %run_scoped3A = tpu.sem_alloc : memref<!tpu.dma_semaphore, #tpu.memory_space<semaphore_mem>>
      %dma_start3A_886 = tpu.memref_slice %arg3[%add3A_299] : memref<16384xi32, #tpu.memory_space<hbm>> -> memref<128xi32, #tpu.memory_space<hbm>>
      %dma_start3A_887 = tpu.memref_slice %arg3[%add3A_299] : memref<16384xi32, #tpu.memory_space<hbm>> -> memref<128xi32, #tpu.memory_space<hbm>>
      tpu.enqueue_dma source(%dma_start3A_887 : memref<128xi32, #tpu.memory_space<hbm>>) target(%arg9 : memref<128xi32, #tpu.memory_space<vmem>>) target_semaphore(%run_scoped3A : memref<!tpu.dma_semaphore, #tpu.memory_space<semaphore_mem>>)
      %dma_wait3A_888 = tpu.memref_slice %arg3[%add3A_299] : memref<16384xi32, #tpu.memory_space<hbm>> -> memref<128xi32, #tpu.memory_space<hbm>>
      %dma_wait3A_889 = tpu.memref_slice %arg3[%add3A_299] : memref<16384xi32, #tpu.memory_space<hbm>> -> memref<128xi32, #tpu.memory_space<hbm>>
      tpu.wait_dma2 semaphore(%run_scoped3A : memref<!tpu.dma_semaphore, #tpu.memory_space<semaphore_mem>>) src(%dma_wait3A_889 : memref<128xi32, #tpu.memory_space<hbm>>) dst(%arg9 : memref<128xi32, #tpu.memory_space<vmem>>)
      tpu.yield
    }) : () -> ()
    %add3A_364 = arith.constant 16384 : i32
    %add3A_365 = arith.addi %add3A_364, %add3A_299 : i32
    %add3A_366 = arith.constant 0 : i32
    %add3A_367 = arith.addi %add3A_365, %add3A_366 : i32
    %add3A_368 = vector.broadcast %add3A_367 : i32 to vector<16xi32>
    %add3A_369 = arith.addi %add3A_368, %iota3A : vector<16xi32>
    %swap3A_370 = arith.constant 0 : index
    %swap3A_371 = tpu.vector_load %arg11[%swap3A_370] {strides = array<i32>} : memref<128xi32, #tpu.memory_space<vmem>>, vector<16xi32>,
    %swap3A_372 = vector.shape_cast %swap3A_371 : vector<16xi32> to vector<16xi32>
    %swap3A_373 = vector.shape_cast %add3A_369 : vector<16xi32> to vector<16xi32>
    tpu.vector_store %arg11[%swap3A_370], %swap3A_373 {strides = array<i32>} : memref<128xi32, #tpu.memory_space<vmem>>, vector<16xi32>,
    %add3A_374 = arith.constant 16384 : i32
    %add3A_375 = arith.addi %add3A_374, %add3A_299 : i32
    %add3A_376 = arith.constant 16 : i32
    %add3A_377 = arith.addi %add3A_375, %add3A_376 : i32
    %add3A_378 = vector.broadcast %add3A_377 : i32 to vector<16xi32>
    %add3A_379 = arith.addi %add3A_378, %iota3A : vector<16xi32>
    %swap3A_380 = arith.constant 16 : index
    %swap3A_381 = tpu.vector_load %arg11[%swap3A_380] {strides = array<i32>} : memref<128xi32, #tpu.memory_space<vmem>>, vector<16xi32>,
    %swap3A_382 = vector.shape_cast %swap3A_381 : vector<16xi32> to vector<16xi32>
    %swap3A_383 = vector.shape_cast %add3A_379 : vector<16xi32> to vector<16xi32>
    tpu.vector_store %arg11[%swap3A_380], %swap3A_383 {strides = array<i32>} : memref<128xi32, #tpu.memory_space<vmem>>, vector<16xi32>,
    %add3A_384 = arith.constant 16384 : i32
    %add3A_385 = arith.addi %add3A_384, %add3A_299 : i32
    %add3A_386 = arith.constant 32 : i32
    %add3A_387 = arith.addi %add3A_385, %add3A_386 : i32
    %add3A_388 = vector.broadcast %add3A_387 : i32 to vector<16xi32>
    %add3A_389 = arith.addi %add3A_388, %iota3A : vector<16xi32>
    %swap3A_390 = arith.constant 32 : index
    %swap3A_391 = tpu.vector_load %arg11[%swap3A_390] {strides = array<i32>} : memref<128xi32, #tpu.memory_space<vmem>>, vector<16xi32>,
    %swap3A_392 = vector.shape_cast %swap3A_391 : vector<16xi32> to vector<16xi32>
    %swap3A_393 = vector.shape_cast %add3A_389 : vector<16xi32> to vector<16xi32>
    tpu.vector_store %arg11[%swap3A_390], %swap3A_393 {strides = array<i32>} : memref<128xi32, #tpu.memory_space<vmem>>, vector<16xi32>,
    %add3A_394 = arith.constant 16384 : i32
    %add3A_395 = arith.addi %add3A_394, %add3A_299 : i32
    %add3A_396 = arith.constant 48 : i32
    %add3A_397 = arith.addi %add3A_395, %add3A_396 : i32
    %add3A_398 = vector.broadcast %add3A_397 : i32 to vector<16xi32>
    %add3A_399 = arith.addi %add3A_398, %iota3A : vector<16xi32>
    %swap3A_400 = arith.constant 48 : index
    %swap3A_401 = tpu.vector_load %arg11[%swap3A_400] {strides = array<i32>} : memref<128xi32, #tpu.memory_space<vmem>>, vector<16xi32>,
    %swap3A_402 = vector.shape_cast %swap3A_401 : vector<16xi32> to vector<16xi32>
    %swap3A_403 = vector.shape_cast %add3A_399 : vector<16xi32> to vector<16xi32>
    tpu.vector_store %arg11[%swap3A_400], %swap3A_403 {strides = array<i32>} : memref<128xi32, #tpu.memory_space<vmem>>, vector<16xi32>,
    %add3A_404 = arith.constant 16384 : i32
    %add3A_405 = arith.addi %add3A_404, %add3A_299 : i32
    %add3A_406 = arith.constant 64 : i32
    %add3A_407 = arith.addi %add3A_405, %add3A_406 : i32
    %add3A_408 = vector.broadcast %add3A_407 : i32 to vector<16xi32>
    %add3A_409 = arith.addi %add3A_408, %iota3A : vector<16xi32>
    %swap3A_410 = arith.constant 64 : index
    %swap3A_411 = tpu.vector_load %arg11[%swap3A_410] {strides = array<i32>} : memref<128xi32, #tpu.memory_space<vmem>>, vector<16xi32>,
    %swap3A_412 = vector.shape_cast %swap3A_411 : vector<16xi32> to vector<16xi32>
    %swap3A_413 = vector.shape_cast %add3A_409 : vector<16xi32> to vector<16xi32>
    tpu.vector_store %arg11[%swap3A_410], %swap3A_413 {strides = array<i32>} : memref<128xi32, #tpu.memory_space<vmem>>, vector<16xi32>,
    %add3A_414 = arith.constant 16384 : i32
    %add3A_415 = arith.addi %add3A_414, %add3A_299 : i32
    %add3A_416 = arith.constant 80 : i32
    %add3A_417 = arith.addi %add3A_415, %add3A_416 : i32
    %add3A_418 = vector.broadcast %add3A_417 : i32 to vector<16xi32>
    %add3A_419 = arith.addi %add3A_418, %iota3A : vector<16xi32>
    %swap3A_420 = arith.constant 80 : index
    %swap3A_421 = tpu.vector_load %arg11[%swap3A_420] {strides = array<i32>} : memref<128xi32, #tpu.memory_space<vmem>>, vector<16xi32>,
    %swap3A_422 = vector.shape_cast %swap3A_421 : vector<16xi32> to vector<16xi32>
    %swap3A_423 = vector.shape_cast %add3A_419 : vector<16xi32> to vector<16xi32>
    tpu.vector_store %arg11[%swap3A_420], %swap3A_423 {strides = array<i32>} : memref<128xi32, #tpu.memory_space<vmem>>, vector<16xi32>,
    %add3A_424 = arith.constant 16384 : i32
    %add3A_425 = arith.addi %add3A_424, %add3A_299 : i32
    %add3A_426 = arith.constant 96 : i32
    %add3A_427 = arith.addi %add3A_425, %add3A_426 : i32
    %add3A_428 = vector.broadcast %add3A_427 : i32 to vector<16xi32>
    %add3A_429 = arith.addi %add3A_428, %iota3A : vector<16xi32>
    %swap3A_430 = arith.constant 96 : index
    %swap3A_431 = tpu.vector_load %arg11[%swap3A_430] {strides = array<i32>} : memref<128xi32, #tpu.memory_space<vmem>>, vector<16xi32>,
    %swap3A_432 = vector.shape_cast %swap3A_431 : vector<16xi32> to vector<16xi32>
    %swap3A_433 = vector.shape_cast %add3A_429 : vector<16xi32> to vector<16xi32>
    tpu.vector_store %arg11[%swap3A_430], %swap3A_433 {strides = array<i32>} : memref<128xi32, #tpu.memory_space<vmem>>, vector<16xi32>,
    %add3A_434 = arith.constant 16384 : i32
    %add3A_435 = arith.addi %add3A_434, %add3A_299 : i32
    %add3A_436 = arith.constant 112 : i32
    %add3A_437 = arith.addi %add3A_435, %add3A_436 : i32
    %add3A_438 = vector.broadcast %add3A_437 : i32 to vector<16xi32>
    %add3A_439 = arith.addi %add3A_438, %iota3A : vector<16xi32>
    %swap3A_440 = arith.constant 112 : index
    %swap3A_441 = tpu.vector_load %arg11[%swap3A_440] {strides = array<i32>} : memref<128xi32, #tpu.memory_space<vmem>>, vector<16xi32>,
    %swap3A_442 = vector.shape_cast %swap3A_441 : vector<16xi32> to vector<16xi32>
    %swap3A_443 = vector.shape_cast %add3A_439 : vector<16xi32> to vector<16xi32>
    tpu.vector_store %arg11[%swap3A_440], %swap3A_443 {strides = array<i32>} : memref<128xi32, #tpu.memory_space<vmem>>, vector<16xi32>,
    "tpu.region"() ({
      %run_scoped3A = tpu.sem_alloc : memref<!tpu.dma_semaphore, #tpu.memory_space<semaphore_mem>>
      %dma_start3A_886 = arith.constant 0 : i32
      %dma_start3A_887 = tpu.memref_slice %arg7[%dma_start3A_886] : memref<1000000xi32, #tpu.memory_space<hbm>> -> memref<1000000xi32, #tpu.memory_space<hbm>>
      tpu.enqueue_indirect_dma source(%arg11 : memref<128xi32, #tpu.memory_space<vmem>>) target(%dma_start3A_887 : memref<1000000xi32, #tpu.memory_space<hbm>>) offsets(%arg9 : memref<128xi32, #tpu.memory_space<vmem>>) semaphore(%run_scoped3A : memref<!tpu.dma_semaphore, #tpu.memory_space<semaphore_mem>>)
      %dma_wait3A_888 = arith.constant 0 : i32
      %dma_wait3A_889 = tpu.memref_slice %arg7[%dma_wait3A_888] : memref<1000000xi32, #tpu.memory_space<hbm>> -> memref<1000000xi32, #tpu.memory_space<hbm>>
      tpu.wait_indirect_dma semaphore(%run_scoped3A : memref<!tpu.dma_semaphore, #tpu.memory_space<semaphore_mem>>) src(%arg11 : memref<128xi32, #tpu.memory_space<vmem>>) dst(%dma_wait3A_889 : memref<1000000xi32, #tpu.memory_space<hbm>>)
      tpu.yield
    }) : () -> ()
    %mul3A_444 = arith.constant 512 : i32
    %mul3A_445 = arith.muli %add3A, %mul3A_444 : i32
    %add3A_446 = arith.constant 384 : i32
    %add3A_447 = arith.addi %mul3A_445, %add3A_446 : i32
    "tpu.region"() ({
      %run_scoped3A = tpu.sem_alloc : memref<!tpu.dma_semaphore, #tpu.memory_space<semaphore_mem>>
      %dma_start3A_886 = tpu.memref_slice %arg2[%add3A_447] : memref<16384xi32, #tpu.memory_space<hbm>> -> memref<128xi32, #tpu.memory_space<hbm>>
      %dma_start3A_887 = tpu.memref_slice %arg2[%add3A_447] : memref<16384xi32, #tpu.memory_space<hbm>> -> memref<128xi32, #tpu.memory_space<hbm>>
      tpu.enqueue_dma source(%dma_start3A_887 : memref<128xi32, #tpu.memory_space<hbm>>) target(%arg9 : memref<128xi32, #tpu.memory_space<vmem>>) target_semaphore(%run_scoped3A : memref<!tpu.dma_semaphore, #tpu.memory_space<semaphore_mem>>)
      %dma_wait3A_888 = tpu.memref_slice %arg2[%add3A_447] : memref<16384xi32, #tpu.memory_space<hbm>> -> memref<128xi32, #tpu.memory_space<hbm>>
      %dma_wait3A_889 = tpu.memref_slice %arg2[%add3A_447] : memref<16384xi32, #tpu.memory_space<hbm>> -> memref<128xi32, #tpu.memory_space<hbm>>
      tpu.wait_dma2 semaphore(%run_scoped3A : memref<!tpu.dma_semaphore, #tpu.memory_space<semaphore_mem>>) src(%dma_wait3A_889 : memref<128xi32, #tpu.memory_space<hbm>>) dst(%arg9 : memref<128xi32, #tpu.memory_space<vmem>>)
      tpu.yield
    }) : () -> ()
    %add3A_448 = arith.constant 0 : i32
    %add3A_449 = arith.addi %add3A_447, %add3A_448 : i32
    %add3A_450 = vector.broadcast %add3A_449 : i32 to vector<16xi32>
    %add3A_451 = arith.addi %add3A_450, %iota3A : vector<16xi32>
    %swap3A_452 = arith.constant 0 : index
    %swap3A_453 = tpu.vector_load %arg11[%swap3A_452] {strides = array<i32>} : memref<128xi32, #tpu.memory_space<vmem>>, vector<16xi32>,
    %swap3A_454 = vector.shape_cast %swap3A_453 : vector<16xi32> to vector<16xi32>
    %swap3A_455 = vector.shape_cast %add3A_451 : vector<16xi32> to vector<16xi32>
    tpu.vector_store %arg11[%swap3A_452], %swap3A_455 {strides = array<i32>} : memref<128xi32, #tpu.memory_space<vmem>>, vector<16xi32>,
    %add3A_456 = arith.constant 16 : i32
    %add3A_457 = arith.addi %add3A_447, %add3A_456 : i32
    %add3A_458 = vector.broadcast %add3A_457 : i32 to vector<16xi32>
    %add3A_459 = arith.addi %add3A_458, %iota3A : vector<16xi32>
    %swap3A_460 = arith.constant 16 : index
    %swap3A_461 = tpu.vector_load %arg11[%swap3A_460] {strides = array<i32>} : memref<128xi32, #tpu.memory_space<vmem>>, vector<16xi32>,
    %swap3A_462 = vector.shape_cast %swap3A_461 : vector<16xi32> to vector<16xi32>
    %swap3A_463 = vector.shape_cast %add3A_459 : vector<16xi32> to vector<16xi32>
    tpu.vector_store %arg11[%swap3A_460], %swap3A_463 {strides = array<i32>} : memref<128xi32, #tpu.memory_space<vmem>>, vector<16xi32>,
    %add3A_464 = arith.constant 32 : i32
    %add3A_465 = arith.addi %add3A_447, %add3A_464 : i32
    %add3A_466 = vector.broadcast %add3A_465 : i32 to vector<16xi32>
    %add3A_467 = arith.addi %add3A_466, %iota3A : vector<16xi32>
    %swap3A_468 = arith.constant 32 : index
    %swap3A_469 = tpu.vector_load %arg11[%swap3A_468] {strides = array<i32>} : memref<128xi32, #tpu.memory_space<vmem>>, vector<16xi32>,
    %swap3A_470 = vector.shape_cast %swap3A_469 : vector<16xi32> to vector<16xi32>
    %swap3A_471 = vector.shape_cast %add3A_467 : vector<16xi32> to vector<16xi32>
    tpu.vector_store %arg11[%swap3A_468], %swap3A_471 {strides = array<i32>} : memref<128xi32, #tpu.memory_space<vmem>>, vector<16xi32>,
    %add3A_472 = arith.constant 48 : i32
    %add3A_473 = arith.addi %add3A_447, %add3A_472 : i32
    %add3A_474 = vector.broadcast %add3A_473 : i32 to vector<16xi32>
    %add3A_475 = arith.addi %add3A_474, %iota3A : vector<16xi32>
    %swap3A_476 = arith.constant 48 : index
    %swap3A_477 = tpu.vector_load %arg11[%swap3A_476] {strides = array<i32>} : memref<128xi32, #tpu.memory_space<vmem>>, vector<16xi32>,
    %swap3A_478 = vector.shape_cast %swap3A_477 : vector<16xi32> to vector<16xi32>
    %swap3A_479 = vector.shape_cast %add3A_475 : vector<16xi32> to vector<16xi32>
    tpu.vector_store %arg11[%swap3A_476], %swap3A_479 {strides = array<i32>} : memref<128xi32, #tpu.memory_space<vmem>>, vector<16xi32>,
    %add3A_480 = arith.constant 64 : i32
    %add3A_481 = arith.addi %add3A_447, %add3A_480 : i32
    %add3A_482 = vector.broadcast %add3A_481 : i32 to vector<16xi32>
    %add3A_483 = arith.addi %add3A_482, %iota3A : vector<16xi32>
    %swap3A_484 = arith.constant 64 : index
    %swap3A_485 = tpu.vector_load %arg11[%swap3A_484] {strides = array<i32>} : memref<128xi32, #tpu.memory_space<vmem>>, vector<16xi32>,
    %swap3A_486 = vector.shape_cast %swap3A_485 : vector<16xi32> to vector<16xi32>
    %swap3A_487 = vector.shape_cast %add3A_483 : vector<16xi32> to vector<16xi32>
    tpu.vector_store %arg11[%swap3A_484], %swap3A_487 {strides = array<i32>} : memref<128xi32, #tpu.memory_space<vmem>>, vector<16xi32>,
    %add3A_488 = arith.constant 80 : i32
    %add3A_489 = arith.addi %add3A_447, %add3A_488 : i32
    %add3A_490 = vector.broadcast %add3A_489 : i32 to vector<16xi32>
    %add3A_491 = arith.addi %add3A_490, %iota3A : vector<16xi32>
    %swap3A_492 = arith.constant 80 : index
    %swap3A_493 = tpu.vector_load %arg11[%swap3A_492] {strides = array<i32>} : memref<128xi32, #tpu.memory_space<vmem>>, vector<16xi32>,
    %swap3A_494 = vector.shape_cast %swap3A_493 : vector<16xi32> to vector<16xi32>
    %swap3A_495 = vector.shape_cast %add3A_491 : vector<16xi32> to vector<16xi32>
    tpu.vector_store %arg11[%swap3A_492], %swap3A_495 {strides = array<i32>} : memref<128xi32, #tpu.memory_space<vmem>>, vector<16xi32>,
    %add3A_496 = arith.constant 96 : i32
    %add3A_497 = arith.addi %add3A_447, %add3A_496 : i32
    %add3A_498 = vector.broadcast %add3A_497 : i32 to vector<16xi32>
    %add3A_499 = arith.addi %add3A_498, %iota3A : vector<16xi32>
    %swap3A_500 = arith.constant 96 : index
    %swap3A_501 = tpu.vector_load %arg11[%swap3A_500] {strides = array<i32>} : memref<128xi32, #tpu.memory_space<vmem>>, vector<16xi32>,
    %swap3A_502 = vector.shape_cast %swap3A_501 : vector<16xi32> to vector<16xi32>
    %swap3A_503 = vector.shape_cast %add3A_499 : vector<16xi32> to vector<16xi32>
    tpu.vector_store %arg11[%swap3A_500], %swap3A_503 {strides = array<i32>} : memref<128xi32, #tpu.memory_space<vmem>>, vector<16xi32>,
    %add3A_504 = arith.constant 112 : i32
    %add3A_505 = arith.addi %add3A_447, %add3A_504 : i32
    %add3A_506 = vector.broadcast %add3A_505 : i32 to vector<16xi32>
    %add3A_507 = arith.addi %add3A_506, %iota3A : vector<16xi32>
    %swap3A_508 = arith.constant 112 : index
    %swap3A_509 = tpu.vector_load %arg11[%swap3A_508] {strides = array<i32>} : memref<128xi32, #tpu.memory_space<vmem>>, vector<16xi32>,
    %swap3A_510 = vector.shape_cast %swap3A_509 : vector<16xi32> to vector<16xi32>
    %swap3A_511 = vector.shape_cast %add3A_507 : vector<16xi32> to vector<16xi32>
    tpu.vector_store %arg11[%swap3A_508], %swap3A_511 {strides = array<i32>} : memref<128xi32, #tpu.memory_space<vmem>>, vector<16xi32>,
    "tpu.region"() ({
      %run_scoped3A = tpu.sem_alloc : memref<!tpu.dma_semaphore, #tpu.memory_space<semaphore_mem>>
      %dma_start3A_886 = arith.constant 0 : i32
      %dma_start3A_887 = tpu.memref_slice %arg7[%dma_start3A_886] : memref<1000000xi32, #tpu.memory_space<hbm>> -> memref<1000000xi32, #tpu.memory_space<hbm>>
      tpu.enqueue_indirect_dma source(%arg11 : memref<128xi32, #tpu.memory_space<vmem>>) target(%dma_start3A_887 : memref<1000000xi32, #tpu.memory_space<hbm>>) offsets(%arg9 : memref<128xi32, #tpu.memory_space<vmem>>) semaphore(%run_scoped3A : memref<!tpu.dma_semaphore, #tpu.memory_space<semaphore_mem>>)
      %dma_wait3A_888 = arith.constant 0 : i32
      %dma_wait3A_889 = tpu.memref_slice %arg7[%dma_wait3A_888] : memref<1000000xi32, #tpu.memory_space<hbm>> -> memref<1000000xi32, #tpu.memory_space<hbm>>
      tpu.wait_indirect_dma semaphore(%run_scoped3A : memref<!tpu.dma_semaphore, #tpu.memory_space<semaphore_mem>>) src(%arg11 : memref<128xi32, #tpu.memory_space<vmem>>) dst(%dma_wait3A_889 : memref<1000000xi32, #tpu.memory_space<hbm>>)
      tpu.yield
    }) : () -> ()
    "tpu.region"() ({
      %run_scoped3A = tpu.sem_alloc : memref<!tpu.dma_semaphore, #tpu.memory_space<semaphore_mem>>
      %dma_start3A_886 = tpu.memref_slice %arg3[%add3A_447] : memref<16384xi32, #tpu.memory_space<hbm>> -> memref<128xi32, #tpu.memory_space<hbm>>
      %dma_start3A_887 = tpu.memref_slice %arg3[%add3A_447] : memref<16384xi32, #tpu.memory_space<hbm>> -> memref<128xi32, #tpu.memory_space<hbm>>
      tpu.enqueue_dma source(%dma_start3A_887 : memref<128xi32, #tpu.memory_space<hbm>>) target(%arg9 : memref<128xi32, #tpu.memory_space<vmem>>) target_semaphore(%run_scoped3A : memref<!tpu.dma_semaphore, #tpu.memory_space<semaphore_mem>>)
      %dma_wait3A_888 = tpu.memref_slice %arg3[%add3A_447] : memref<16384xi32, #tpu.memory_space<hbm>> -> memref<128xi32, #tpu.memory_space<hbm>>
      %dma_wait3A_889 = tpu.memref_slice %arg3[%add3A_447] : memref<16384xi32, #tpu.memory_space<hbm>> -> memref<128xi32, #tpu.memory_space<hbm>>
      tpu.wait_dma2 semaphore(%run_scoped3A : memref<!tpu.dma_semaphore, #tpu.memory_space<semaphore_mem>>) src(%dma_wait3A_889 : memref<128xi32, #tpu.memory_space<hbm>>) dst(%arg9 : memref<128xi32, #tpu.memory_space<vmem>>)
      tpu.yield
    }) : () -> ()
    %add3A_512 = arith.constant 16384 : i32
    %add3A_513 = arith.addi %add3A_512, %add3A_447 : i32
    %add3A_514 = arith.constant 0 : i32
    %add3A_515 = arith.addi %add3A_513, %add3A_514 : i32
    %add3A_516 = vector.broadcast %add3A_515 : i32 to vector<16xi32>
    %add3A_517 = arith.addi %add3A_516, %iota3A : vector<16xi32>
    %swap3A_518 = arith.constant 0 : index
    %swap3A_519 = tpu.vector_load %arg11[%swap3A_518] {strides = array<i32>} : memref<128xi32, #tpu.memory_space<vmem>>, vector<16xi32>,
    %swap3A_520 = vector.shape_cast %swap3A_519 : vector<16xi32> to vector<16xi32>
    %swap3A_521 = vector.shape_cast %add3A_517 : vector<16xi32> to vector<16xi32>
    tpu.vector_store %arg11[%swap3A_518], %swap3A_521 {strides = array<i32>} : memref<128xi32, #tpu.memory_space<vmem>>, vector<16xi32>,
    %add3A_522 = arith.constant 16384 : i32
    %add3A_523 = arith.addi %add3A_522, %add3A_447 : i32
    %add3A_524 = arith.constant 16 : i32
    %add3A_525 = arith.addi %add3A_523, %add3A_524 : i32
    %add3A_526 = vector.broadcast %add3A_525 : i32 to vector<16xi32>
    %add3A_527 = arith.addi %add3A_526, %iota3A : vector<16xi32>
    %swap3A_528 = arith.constant 16 : index
    %swap3A_529 = tpu.vector_load %arg11[%swap3A_528] {strides = array<i32>} : memref<128xi32, #tpu.memory_space<vmem>>, vector<16xi32>,
    %swap3A_530 = vector.shape_cast %swap3A_529 : vector<16xi32> to vector<16xi32>
    %swap3A_531 = vector.shape_cast %add3A_527 : vector<16xi32> to vector<16xi32>
    tpu.vector_store %arg11[%swap3A_528], %swap3A_531 {strides = array<i32>} : memref<128xi32, #tpu.memory_space<vmem>>, vector<16xi32>,
    %add3A_532 = arith.constant 16384 : i32
    %add3A_533 = arith.addi %add3A_532, %add3A_447 : i32
    %add3A_534 = arith.constant 32 : i32
    %add3A_535 = arith.addi %add3A_533, %add3A_534 : i32
    %add3A_536 = vector.broadcast %add3A_535 : i32 to vector<16xi32>
    %add3A_537 = arith.addi %add3A_536, %iota3A : vector<16xi32>
    %swap3A_538 = arith.constant 32 : index
    %swap3A_539 = tpu.vector_load %arg11[%swap3A_538] {strides = array<i32>} : memref<128xi32, #tpu.memory_space<vmem>>, vector<16xi32>,
    %swap3A_540 = vector.shape_cast %swap3A_539 : vector<16xi32> to vector<16xi32>
    %swap3A_541 = vector.shape_cast %add3A_537 : vector<16xi32> to vector<16xi32>
    tpu.vector_store %arg11[%swap3A_538], %swap3A_541 {strides = array<i32>} : memref<128xi32, #tpu.memory_space<vmem>>, vector<16xi32>,
    %add3A_542 = arith.constant 16384 : i32
    %add3A_543 = arith.addi %add3A_542, %add3A_447 : i32
    %add3A_544 = arith.constant 48 : i32
    %add3A_545 = arith.addi %add3A_543, %add3A_544 : i32
    %add3A_546 = vector.broadcast %add3A_545 : i32 to vector<16xi32>
    %add3A_547 = arith.addi %add3A_546, %iota3A : vector<16xi32>
    %swap3A_548 = arith.constant 48 : index
    %swap3A_549 = tpu.vector_load %arg11[%swap3A_548] {strides = array<i32>} : memref<128xi32, #tpu.memory_space<vmem>>, vector<16xi32>,
    %swap3A_550 = vector.shape_cast %swap3A_549 : vector<16xi32> to vector<16xi32>
    %swap3A_551 = vector.shape_cast %add3A_547 : vector<16xi32> to vector<16xi32>
    tpu.vector_store %arg11[%swap3A_548], %swap3A_551 {strides = array<i32>} : memref<128xi32, #tpu.memory_space<vmem>>, vector<16xi32>,
    %add3A_552 = arith.constant 16384 : i32
    %add3A_553 = arith.addi %add3A_552, %add3A_447 : i32
    %add3A_554 = arith.constant 64 : i32
    %add3A_555 = arith.addi %add3A_553, %add3A_554 : i32
    %add3A_556 = vector.broadcast %add3A_555 : i32 to vector<16xi32>
    %add3A_557 = arith.addi %add3A_556, %iota3A : vector<16xi32>
    %swap3A_558 = arith.constant 64 : index
    %swap3A_559 = tpu.vector_load %arg11[%swap3A_558] {strides = array<i32>} : memref<128xi32, #tpu.memory_space<vmem>>, vector<16xi32>,
    %swap3A_560 = vector.shape_cast %swap3A_559 : vector<16xi32> to vector<16xi32>
    %swap3A_561 = vector.shape_cast %add3A_557 : vector<16xi32> to vector<16xi32>
    tpu.vector_store %arg11[%swap3A_558], %swap3A_561 {strides = array<i32>} : memref<128xi32, #tpu.memory_space<vmem>>, vector<16xi32>,
    %add3A_562 = arith.constant 16384 : i32
    %add3A_563 = arith.addi %add3A_562, %add3A_447 : i32
    %add3A_564 = arith.constant 80 : i32
    %add3A_565 = arith.addi %add3A_563, %add3A_564 : i32
    %add3A_566 = vector.broadcast %add3A_565 : i32 to vector<16xi32>
    %add3A_567 = arith.addi %add3A_566, %iota3A : vector<16xi32>
    %swap3A_568 = arith.constant 80 : index
    %swap3A_569 = tpu.vector_load %arg11[%swap3A_568] {strides = array<i32>} : memref<128xi32, #tpu.memory_space<vmem>>, vector<16xi32>,
    %swap3A_570 = vector.shape_cast %swap3A_569 : vector<16xi32> to vector<16xi32>
    %swap3A_571 = vector.shape_cast %add3A_567 : vector<16xi32> to vector<16xi32>
    tpu.vector_store %arg11[%swap3A_568], %swap3A_571 {strides = array<i32>} : memref<128xi32, #tpu.memory_space<vmem>>, vector<16xi32>,
    %add3A_572 = arith.constant 16384 : i32
    %add3A_573 = arith.addi %add3A_572, %add3A_447 : i32
    %add3A_574 = arith.constant 96 : i32
    %add3A_575 = arith.addi %add3A_573, %add3A_574 : i32
    %add3A_576 = vector.broadcast %add3A_575 : i32 to vector<16xi32>
    %add3A_577 = arith.addi %add3A_576, %iota3A : vector<16xi32>
    %swap3A_578 = arith.constant 96 : index
    %swap3A_579 = tpu.vector_load %arg11[%swap3A_578] {strides = array<i32>} : memref<128xi32, #tpu.memory_space<vmem>>, vector<16xi32>,
    %swap3A_580 = vector.shape_cast %swap3A_579 : vector<16xi32> to vector<16xi32>
    %swap3A_581 = vector.shape_cast %add3A_577 : vector<16xi32> to vector<16xi32>
    tpu.vector_store %arg11[%swap3A_578], %swap3A_581 {strides = array<i32>} : memref<128xi32, #tpu.memory_space<vmem>>, vector<16xi32>,
    %add3A_582 = arith.constant 16384 : i32
    %add3A_583 = arith.addi %add3A_582, %add3A_447 : i32
    %add3A_584 = arith.constant 112 : i32
    %add3A_585 = arith.addi %add3A_583, %add3A_584 : i32
    %add3A_586 = vector.broadcast %add3A_585 : i32 to vector<16xi32>
    %add3A_587 = arith.addi %add3A_586, %iota3A : vector<16xi32>
    %swap3A_588 = arith.constant 112 : index
    %swap3A_589 = tpu.vector_load %arg11[%swap3A_588] {strides = array<i32>} : memref<128xi32, #tpu.memory_space<vmem>>, vector<16xi32>,
    %swap3A_590 = vector.shape_cast %swap3A_589 : vector<16xi32> to vector<16xi32>
    %swap3A_591 = vector.shape_cast %add3A_587 : vector<16xi32> to vector<16xi32>
    tpu.vector_store %arg11[%swap3A_588], %swap3A_591 {strides = array<i32>} : memref<128xi32, #tpu.memory_space<vmem>>, vector<16xi32>,
    "tpu.region"() ({
      %run_scoped3A = tpu.sem_alloc : memref<!tpu.dma_semaphore, #tpu.memory_space<semaphore_mem>>
      %dma_start3A_886 = arith.constant 0 : i32
      %dma_start3A_887 = tpu.memref_slice %arg7[%dma_start3A_886] : memref<1000000xi32, #tpu.memory_space<hbm>> -> memref<1000000xi32, #tpu.memory_space<hbm>>
      tpu.enqueue_indirect_dma source(%arg11 : memref<128xi32, #tpu.memory_space<vmem>>) target(%dma_start3A_887 : memref<1000000xi32, #tpu.memory_space<hbm>>) offsets(%arg9 : memref<128xi32, #tpu.memory_space<vmem>>) semaphore(%run_scoped3A : memref<!tpu.dma_semaphore, #tpu.memory_space<semaphore_mem>>)
      %dma_wait3A_888 = arith.constant 0 : i32
      %dma_wait3A_889 = tpu.memref_slice %arg7[%dma_wait3A_888] : memref<1000000xi32, #tpu.memory_space<hbm>> -> memref<1000000xi32, #tpu.memory_space<hbm>>
      tpu.wait_indirect_dma semaphore(%run_scoped3A : memref<!tpu.dma_semaphore, #tpu.memory_space<semaphore_mem>>) src(%arg11 : memref<128xi32, #tpu.memory_space<vmem>>) dst(%dma_wait3A_889 : memref<1000000xi32, #tpu.memory_space<hbm>>)
      tpu.yield
    }) : () -> ()
    %mul3A_592 = arith.constant 512 : i32
    %mul3A_593 = arith.muli %add3A, %mul3A_592 : i32
    %add3A_594 = arith.constant 0 : i32
    %add3A_595 = arith.addi %mul3A_593, %add3A_594 : i32
    %mul3A_596 = arith.constant 512 : i32
    %mul3A_597 = arith.muli %add3A, %mul3A_596 : i32
    %add3A_598 = arith.constant 128 : i32
    %add3A_599 = arith.addi %mul3A_597, %add3A_598 : i32
    %mul3A_600 = arith.constant 512 : i32
    %mul3A_601 = arith.muli %add3A, %mul3A_600 : i32
    %add3A_602 = arith.constant 256 : i32
    %add3A_603 = arith.addi %mul3A_601, %add3A_602 : i32
    %mul3A_604 = arith.constant 512 : i32
    %mul3A_605 = arith.muli %add3A, %mul3A_604 : i32
    %add3A_606 = arith.constant 384 : i32
    %add3A_607 = arith.addi %mul3A_605, %add3A_606 : i32
    "tpu.region"() ({
      %run_scoped3A = tpu.sem_alloc : memref<!tpu.dma_semaphore, #tpu.memory_space<semaphore_mem>>
      %dma_start3A_886 = tpu.memref_slice %arg4[%add3A_595] : memref<16384xi32, #tpu.memory_space<hbm>> -> memref<128xi32, #tpu.memory_space<hbm>>
      %dma_start3A_887 = tpu.memref_slice %arg4[%add3A_595] : memref<16384xi32, #tpu.memory_space<hbm>> -> memref<128xi32, #tpu.memory_space<hbm>>
      tpu.enqueue_dma source(%dma_start3A_887 : memref<128xi32, #tpu.memory_space<hbm>>) target(%arg9 : memref<128xi32, #tpu.memory_space<vmem>>) target_semaphore(%run_scoped3A : memref<!tpu.dma_semaphore, #tpu.memory_space<semaphore_mem>>)
      %dma_wait3A_888 = tpu.memref_slice %arg4[%add3A_595] : memref<16384xi32, #tpu.memory_space<hbm>> -> memref<128xi32, #tpu.memory_space<hbm>>
      %dma_wait3A_889 = tpu.memref_slice %arg4[%add3A_595] : memref<16384xi32, #tpu.memory_space<hbm>> -> memref<128xi32, #tpu.memory_space<hbm>>
      tpu.wait_dma2 semaphore(%run_scoped3A : memref<!tpu.dma_semaphore, #tpu.memory_space<semaphore_mem>>) src(%dma_wait3A_889 : memref<128xi32, #tpu.memory_space<hbm>>) dst(%arg9 : memref<128xi32, #tpu.memory_space<vmem>>)
      tpu.yield
    }) : () -> ()
    %dma_start3A = arith.constant 0 : i32
    %dma_start3A_608 = arith.constant 0 : i32
    %dma_start3A_609 = tpu.memref_slice %arg5[%dma_start3A, %dma_start3A_608] : memref<100000x128xf32, #tpu.memory_space<hbm>> -> memref<100000x128xf32, #tpu.memory_space<hbm>>
    tpu.enqueue_indirect_dma source(%dma_start3A_609 : memref<100000x128xf32, #tpu.memory_space<hbm>>) target(%arg12 : memref<128x128xf32, #tpu.memory_space<vmem>>) offsets(%arg9 : memref<128xi32, #tpu.memory_space<vmem>>) semaphore(%arg14 : memref<!tpu.dma_semaphore, #tpu.memory_space<semaphore_mem>>)
    "tpu.region"() ({
      %run_scoped3A = tpu.sem_alloc : memref<!tpu.dma_semaphore, #tpu.memory_space<semaphore_mem>>
      %dma_start3A_886 = tpu.memref_slice %arg4[%add3A_599] : memref<16384xi32, #tpu.memory_space<hbm>> -> memref<128xi32, #tpu.memory_space<hbm>>
      %dma_start3A_887 = tpu.memref_slice %arg4[%add3A_599] : memref<16384xi32, #tpu.memory_space<hbm>> -> memref<128xi32, #tpu.memory_space<hbm>>
      tpu.enqueue_dma source(%dma_start3A_887 : memref<128xi32, #tpu.memory_space<hbm>>) target(%arg10 : memref<128xi32, #tpu.memory_space<vmem>>) target_semaphore(%run_scoped3A : memref<!tpu.dma_semaphore, #tpu.memory_space<semaphore_mem>>)
      %dma_wait3A_888 = tpu.memref_slice %arg4[%add3A_599] : memref<16384xi32, #tpu.memory_space<hbm>> -> memref<128xi32, #tpu.memory_space<hbm>>
      %dma_wait3A_889 = tpu.memref_slice %arg4[%add3A_599] : memref<16384xi32, #tpu.memory_space<hbm>> -> memref<128xi32, #tpu.memory_space<hbm>>
      tpu.wait_dma2 semaphore(%run_scoped3A : memref<!tpu.dma_semaphore, #tpu.memory_space<semaphore_mem>>) src(%dma_wait3A_889 : memref<128xi32, #tpu.memory_space<hbm>>) dst(%arg10 : memref<128xi32, #tpu.memory_space<vmem>>)
      tpu.yield
    }) : () -> ()
    %dma_start3A_610 = arith.constant 0 : i32
    %dma_start3A_611 = arith.constant 0 : i32
    %dma_start3A_612 = tpu.memref_slice %arg5[%dma_start3A_610, %dma_start3A_611] : memref<100000x128xf32, #tpu.memory_space<hbm>> -> memref<100000x128xf32, #tpu.memory_space<hbm>>
    tpu.enqueue_indirect_dma source(%dma_start3A_612 : memref<100000x128xf32, #tpu.memory_space<hbm>>) target(%arg13 : memref<128x128xf32, #tpu.memory_space<vmem>>) offsets(%arg10 : memref<128xi32, #tpu.memory_space<vmem>>) semaphore(%arg15 : memref<!tpu.dma_semaphore, #tpu.memory_space<semaphore_mem>>)
    %dma_wait3A = arith.constant 0 : i32
    %dma_wait3A_613 = arith.constant 0 : i32
    %dma_wait3A_614 = tpu.memref_slice %arg5[%dma_wait3A, %dma_wait3A_613] : memref<100000x128xf32, #tpu.memory_space<hbm>> -> memref<100000x128xf32, #tpu.memory_space<hbm>>
    tpu.wait_indirect_dma semaphore(%arg14 : memref<!tpu.dma_semaphore, #tpu.memory_space<semaphore_mem>>) src(%dma_wait3A_614 : memref<100000x128xf32, #tpu.memory_space<hbm>>) dst(%arg12 : memref<128x128xf32, #tpu.memory_space<vmem>>)
    "tpu.region"() ({
      %run_scoped3A = tpu.sem_alloc : memref<!tpu.dma_semaphore, #tpu.memory_space<semaphore_mem>>
      %dma_start3A_886 = arith.constant 0 : i32
      %dma_start3A_887 = arith.constant 0 : i32
      %dma_start3A_888 = tpu.memref_slice %arg12[%dma_start3A_886, %dma_start3A_887] : memref<128x128xf32, #tpu.memory_space<vmem>> -> memref<128x64xf32, #tpu.memory_space<vmem>>
      %dma_start3A_889 = arith.constant 0 : i32
      %dma_start3A_890 = tpu.memref_slice %arg6[%add3A_595, %dma_start3A_889] : memref<16384x64xf32, #tpu.memory_space<hbm>> -> memref<128x64xf32, #tpu.memory_space<hbm>>
      %dma_start3A_891 = arith.constant 0 : i32
      %dma_start3A_892 = tpu.memref_slice %arg6[%add3A_595, %dma_start3A_891] : memref<16384x64xf32, #tpu.memory_space<hbm>> -> memref<128x64xf32, #tpu.memory_space<hbm>>
      %dma_start3A_893 = arith.constant 0 : i32
      %dma_start3A_894 = arith.constant 0 : i32
      %dma_start3A_895 = tpu.memref_slice %arg12[%dma_start3A_893, %dma_start3A_894] : memref<128x128xf32, #tpu.memory_space<vmem>> -> memref<128x64xf32, #tpu.memory_space<vmem>>
      tpu.enqueue_dma source(%dma_start3A_895 : memref<128x64xf32, #tpu.memory_space<vmem>>) target(%dma_start3A_892 : memref<128x64xf32, #tpu.memory_space<hbm>>) target_semaphore(%run_scoped3A : memref<!tpu.dma_semaphore, #tpu.memory_space<semaphore_mem>>)
      %dma_wait3A_896 = arith.constant 0 : i32
      %dma_wait3A_897 = arith.constant 0 : i32
      %dma_wait3A_898 = tpu.memref_slice %arg12[%dma_wait3A_896, %dma_wait3A_897] : memref<128x128xf32, #tpu.memory_space<vmem>> -> memref<128x64xf32, #tpu.memory_space<vmem>>
      %dma_wait3A_899 = arith.constant 0 : i32
      %dma_wait3A_900 = tpu.memref_slice %arg6[%add3A_595, %dma_wait3A_899] : memref<16384x64xf32, #tpu.memory_space<hbm>> -> memref<128x64xf32, #tpu.memory_space<hbm>>
      %dma_wait3A_901 = arith.constant 0 : i32
      %dma_wait3A_902 = tpu.memref_slice %arg6[%add3A_595, %dma_wait3A_901] : memref<16384x64xf32, #tpu.memory_space<hbm>> -> memref<128x64xf32, #tpu.memory_space<hbm>>
      %dma_wait3A_903 = arith.constant 0 : i32
      %dma_wait3A_904 = arith.constant 0 : i32
      %dma_wait3A_905 = tpu.memref_slice %arg12[%dma_wait3A_903, %dma_wait3A_904] : memref<128x128xf32, #tpu.memory_space<vmem>> -> memref<128x64xf32, #tpu.memory_space<vmem>>
      tpu.wait_dma2 semaphore(%run_scoped3A : memref<!tpu.dma_semaphore, #tpu.memory_space<semaphore_mem>>) src(%dma_wait3A_905 : memref<128x64xf32, #tpu.memory_space<vmem>>) dst(%dma_wait3A_902 : memref<128x64xf32, #tpu.memory_space<hbm>>)
      tpu.yield
    }) : () -> ()
    %add3A_615 = arith.constant 0 : i32
    %add3A_616 = arith.addi %add3A_595, %add3A_615 : i32
    %add3A_617 = vector.broadcast %add3A_616 : i32 to vector<16xi32>
    %add3A_618 = arith.addi %add3A_617, %iota3A : vector<16xi32>
    %swap3A_619 = arith.constant 0 : index
    %swap3A_620 = tpu.vector_load %arg11[%swap3A_619] {strides = array<i32>} : memref<128xi32, #tpu.memory_space<vmem>>, vector<16xi32>,
    %swap3A_621 = vector.shape_cast %swap3A_620 : vector<16xi32> to vector<16xi32>
    %swap3A_622 = vector.shape_cast %add3A_618 : vector<16xi32> to vector<16xi32>
    tpu.vector_store %arg11[%swap3A_619], %swap3A_622 {strides = array<i32>} : memref<128xi32, #tpu.memory_space<vmem>>, vector<16xi32>,
    %add3A_623 = arith.constant 16 : i32
    %add3A_624 = arith.addi %add3A_595, %add3A_623 : i32
    %add3A_625 = vector.broadcast %add3A_624 : i32 to vector<16xi32>
    %add3A_626 = arith.addi %add3A_625, %iota3A : vector<16xi32>
    %swap3A_627 = arith.constant 16 : index
    %swap3A_628 = tpu.vector_load %arg11[%swap3A_627] {strides = array<i32>} : memref<128xi32, #tpu.memory_space<vmem>>, vector<16xi32>,
    %swap3A_629 = vector.shape_cast %swap3A_628 : vector<16xi32> to vector<16xi32>
    %swap3A_630 = vector.shape_cast %add3A_626 : vector<16xi32> to vector<16xi32>
    tpu.vector_store %arg11[%swap3A_627], %swap3A_630 {strides = array<i32>} : memref<128xi32, #tpu.memory_space<vmem>>, vector<16xi32>,
    %add3A_631 = arith.constant 32 : i32
    %add3A_632 = arith.addi %add3A_595, %add3A_631 : i32
    %add3A_633 = vector.broadcast %add3A_632 : i32 to vector<16xi32>
    %add3A_634 = arith.addi %add3A_633, %iota3A : vector<16xi32>
    %swap3A_635 = arith.constant 32 : index
    %swap3A_636 = tpu.vector_load %arg11[%swap3A_635] {strides = array<i32>} : memref<128xi32, #tpu.memory_space<vmem>>, vector<16xi32>,
    %swap3A_637 = vector.shape_cast %swap3A_636 : vector<16xi32> to vector<16xi32>
    %swap3A_638 = vector.shape_cast %add3A_634 : vector<16xi32> to vector<16xi32>
    tpu.vector_store %arg11[%swap3A_635], %swap3A_638 {strides = array<i32>} : memref<128xi32, #tpu.memory_space<vmem>>, vector<16xi32>,
    %add3A_639 = arith.constant 48 : i32
    %add3A_640 = arith.addi %add3A_595, %add3A_639 : i32
    %add3A_641 = vector.broadcast %add3A_640 : i32 to vector<16xi32>
    %add3A_642 = arith.addi %add3A_641, %iota3A : vector<16xi32>
    %swap3A_643 = arith.constant 48 : index
    %swap3A_644 = tpu.vector_load %arg11[%swap3A_643] {strides = array<i32>} : memref<128xi32, #tpu.memory_space<vmem>>, vector<16xi32>,
    %swap3A_645 = vector.shape_cast %swap3A_644 : vector<16xi32> to vector<16xi32>
    %swap3A_646 = vector.shape_cast %add3A_642 : vector<16xi32> to vector<16xi32>
    tpu.vector_store %arg11[%swap3A_643], %swap3A_646 {strides = array<i32>} : memref<128xi32, #tpu.memory_space<vmem>>, vector<16xi32>,
    %add3A_647 = arith.constant 64 : i32
    %add3A_648 = arith.addi %add3A_595, %add3A_647 : i32
    %add3A_649 = vector.broadcast %add3A_648 : i32 to vector<16xi32>
    %add3A_650 = arith.addi %add3A_649, %iota3A : vector<16xi32>
    %swap3A_651 = arith.constant 64 : index
    %swap3A_652 = tpu.vector_load %arg11[%swap3A_651] {strides = array<i32>} : memref<128xi32, #tpu.memory_space<vmem>>, vector<16xi32>,
    %swap3A_653 = vector.shape_cast %swap3A_652 : vector<16xi32> to vector<16xi32>
    %swap3A_654 = vector.shape_cast %add3A_650 : vector<16xi32> to vector<16xi32>
    tpu.vector_store %arg11[%swap3A_651], %swap3A_654 {strides = array<i32>} : memref<128xi32, #tpu.memory_space<vmem>>, vector<16xi32>,
    %add3A_655 = arith.constant 80 : i32
    %add3A_656 = arith.addi %add3A_595, %add3A_655 : i32
    %add3A_657 = vector.broadcast %add3A_656 : i32 to vector<16xi32>
    %add3A_658 = arith.addi %add3A_657, %iota3A : vector<16xi32>
    %swap3A_659 = arith.constant 80 : index
    %swap3A_660 = tpu.vector_load %arg11[%swap3A_659] {strides = array<i32>} : memref<128xi32, #tpu.memory_space<vmem>>, vector<16xi32>,
    %swap3A_661 = vector.shape_cast %swap3A_660 : vector<16xi32> to vector<16xi32>
    %swap3A_662 = vector.shape_cast %add3A_658 : vector<16xi32> to vector<16xi32>
    tpu.vector_store %arg11[%swap3A_659], %swap3A_662 {strides = array<i32>} : memref<128xi32, #tpu.memory_space<vmem>>, vector<16xi32>,
    %add3A_663 = arith.constant 96 : i32
    %add3A_664 = arith.addi %add3A_595, %add3A_663 : i32
    %add3A_665 = vector.broadcast %add3A_664 : i32 to vector<16xi32>
    %add3A_666 = arith.addi %add3A_665, %iota3A : vector<16xi32>
    %swap3A_667 = arith.constant 96 : index
    %swap3A_668 = tpu.vector_load %arg11[%swap3A_667] {strides = array<i32>} : memref<128xi32, #tpu.memory_space<vmem>>, vector<16xi32>,
    %swap3A_669 = vector.shape_cast %swap3A_668 : vector<16xi32> to vector<16xi32>
    %swap3A_670 = vector.shape_cast %add3A_666 : vector<16xi32> to vector<16xi32>
    tpu.vector_store %arg11[%swap3A_667], %swap3A_670 {strides = array<i32>} : memref<128xi32, #tpu.memory_space<vmem>>, vector<16xi32>,
    %add3A_671 = arith.constant 112 : i32
    %add3A_672 = arith.addi %add3A_595, %add3A_671 : i32
    %add3A_673 = vector.broadcast %add3A_672 : i32 to vector<16xi32>
    %add3A_674 = arith.addi %add3A_673, %iota3A : vector<16xi32>
    %swap3A_675 = arith.constant 112 : index
    %swap3A_676 = tpu.vector_load %arg11[%swap3A_675] {strides = array<i32>} : memref<128xi32, #tpu.memory_space<vmem>>, vector<16xi32>,
    %swap3A_677 = vector.shape_cast %swap3A_676 : vector<16xi32> to vector<16xi32>
    %swap3A_678 = vector.shape_cast %add3A_674 : vector<16xi32> to vector<16xi32>
    tpu.vector_store %arg11[%swap3A_675], %swap3A_678 {strides = array<i32>} : memref<128xi32, #tpu.memory_space<vmem>>, vector<16xi32>,
    "tpu.region"() ({
      %run_scoped3A = tpu.sem_alloc : memref<!tpu.dma_semaphore, #tpu.memory_space<semaphore_mem>>
      %dma_start3A_886 = arith.constant 0 : i32
      %dma_start3A_887 = tpu.memref_slice %arg8[%dma_start3A_886] : memref<100000xi32, #tpu.memory_space<hbm>> -> memref<100000xi32, #tpu.memory_space<hbm>>
      tpu.enqueue_indirect_dma source(%arg11 : memref<128xi32, #tpu.memory_space<vmem>>) target(%dma_start3A_887 : memref<100000xi32, #tpu.memory_space<hbm>>) offsets(%arg9 : memref<128xi32, #tpu.memory_space<vmem>>) semaphore(%run_scoped3A : memref<!tpu.dma_semaphore, #tpu.memory_space<semaphore_mem>>)
      %dma_wait3A_888 = arith.constant 0 : i32
      %dma_wait3A_889 = tpu.memref_slice %arg8[%dma_wait3A_888] : memref<100000xi32, #tpu.memory_space<hbm>> -> memref<100000xi32, #tpu.memory_space<hbm>>
      tpu.wait_indirect_dma semaphore(%run_scoped3A : memref<!tpu.dma_semaphore, #tpu.memory_space<semaphore_mem>>) src(%arg11 : memref<128xi32, #tpu.memory_space<vmem>>) dst(%dma_wait3A_889 : memref<100000xi32, #tpu.memory_space<hbm>>)
      tpu.yield
    }) : () -> ()
    "tpu.region"() ({
      %run_scoped3A = tpu.sem_alloc : memref<!tpu.dma_semaphore, #tpu.memory_space<semaphore_mem>>
      %dma_start3A_886 = tpu.memref_slice %arg4[%add3A_603] : memref<16384xi32, #tpu.memory_space<hbm>> -> memref<128xi32, #tpu.memory_space<hbm>>
      %dma_start3A_887 = tpu.memref_slice %arg4[%add3A_603] : memref<16384xi32, #tpu.memory_space<hbm>> -> memref<128xi32, #tpu.memory_space<hbm>>
      tpu.enqueue_dma source(%dma_start3A_887 : memref<128xi32, #tpu.memory_space<hbm>>) target(%arg9 : memref<128xi32, #tpu.memory_space<vmem>>) target_semaphore(%run_scoped3A : memref<!tpu.dma_semaphore, #tpu.memory_space<semaphore_mem>>)
      %dma_wait3A_888 = tpu.memref_slice %arg4[%add3A_603] : memref<16384xi32, #tpu.memory_space<hbm>> -> memref<128xi32, #tpu.memory_space<hbm>>
      %dma_wait3A_889 = tpu.memref_slice %arg4[%add3A_603] : memref<16384xi32, #tpu.memory_space<hbm>> -> memref<128xi32, #tpu.memory_space<hbm>>
      tpu.wait_dma2 semaphore(%run_scoped3A : memref<!tpu.dma_semaphore, #tpu.memory_space<semaphore_mem>>) src(%dma_wait3A_889 : memref<128xi32, #tpu.memory_space<hbm>>) dst(%arg9 : memref<128xi32, #tpu.memory_space<vmem>>)
      tpu.yield
    }) : () -> ()
    %dma_start3A_679 = arith.constant 0 : i32
    %dma_start3A_680 = arith.constant 0 : i32
    %dma_start3A_681 = tpu.memref_slice %arg5[%dma_start3A_679, %dma_start3A_680] : memref<100000x128xf32, #tpu.memory_space<hbm>> -> memref<100000x128xf32, #tpu.memory_space<hbm>>
    tpu.enqueue_indirect_dma source(%dma_start3A_681 : memref<100000x128xf32, #tpu.memory_space<hbm>>) target(%arg12 : memref<128x128xf32, #tpu.memory_space<vmem>>) offsets(%arg9 : memref<128xi32, #tpu.memory_space<vmem>>) semaphore(%arg14 : memref<!tpu.dma_semaphore, #tpu.memory_space<semaphore_mem>>)
    %dma_wait3A_682 = arith.constant 0 : i32
    %dma_wait3A_683 = arith.constant 0 : i32
    %dma_wait3A_684 = tpu.memref_slice %arg5[%dma_wait3A_682, %dma_wait3A_683] : memref<100000x128xf32, #tpu.memory_space<hbm>> -> memref<100000x128xf32, #tpu.memory_space<hbm>>
    tpu.wait_indirect_dma semaphore(%arg15 : memref<!tpu.dma_semaphore, #tpu.memory_space<semaphore_mem>>) src(%dma_wait3A_684 : memref<100000x128xf32, #tpu.memory_space<hbm>>) dst(%arg13 : memref<128x128xf32, #tpu.memory_space<vmem>>)
    "tpu.region"() ({
      %run_scoped3A = tpu.sem_alloc : memref<!tpu.dma_semaphore, #tpu.memory_space<semaphore_mem>>
      %dma_start3A_886 = arith.constant 0 : i32
      %dma_start3A_887 = arith.constant 0 : i32
      %dma_start3A_888 = tpu.memref_slice %arg13[%dma_start3A_886, %dma_start3A_887] : memref<128x128xf32, #tpu.memory_space<vmem>> -> memref<128x64xf32, #tpu.memory_space<vmem>>
      %dma_start3A_889 = arith.constant 0 : i32
      %dma_start3A_890 = tpu.memref_slice %arg6[%add3A_599, %dma_start3A_889] : memref<16384x64xf32, #tpu.memory_space<hbm>> -> memref<128x64xf32, #tpu.memory_space<hbm>>
      %dma_start3A_891 = arith.constant 0 : i32
      %dma_start3A_892 = tpu.memref_slice %arg6[%add3A_599, %dma_start3A_891] : memref<16384x64xf32, #tpu.memory_space<hbm>> -> memref<128x64xf32, #tpu.memory_space<hbm>>
      %dma_start3A_893 = arith.constant 0 : i32
      %dma_start3A_894 = arith.constant 0 : i32
      %dma_start3A_895 = tpu.memref_slice %arg13[%dma_start3A_893, %dma_start3A_894] : memref<128x128xf32, #tpu.memory_space<vmem>> -> memref<128x64xf32, #tpu.memory_space<vmem>>
      tpu.enqueue_dma source(%dma_start3A_895 : memref<128x64xf32, #tpu.memory_space<vmem>>) target(%dma_start3A_892 : memref<128x64xf32, #tpu.memory_space<hbm>>) target_semaphore(%run_scoped3A : memref<!tpu.dma_semaphore, #tpu.memory_space<semaphore_mem>>)
      %dma_wait3A_896 = arith.constant 0 : i32
      %dma_wait3A_897 = arith.constant 0 : i32
      %dma_wait3A_898 = tpu.memref_slice %arg13[%dma_wait3A_896, %dma_wait3A_897] : memref<128x128xf32, #tpu.memory_space<vmem>> -> memref<128x64xf32, #tpu.memory_space<vmem>>
      %dma_wait3A_899 = arith.constant 0 : i32
      %dma_wait3A_900 = tpu.memref_slice %arg6[%add3A_599, %dma_wait3A_899] : memref<16384x64xf32, #tpu.memory_space<hbm>> -> memref<128x64xf32, #tpu.memory_space<hbm>>
      %dma_wait3A_901 = arith.constant 0 : i32
      %dma_wait3A_902 = tpu.memref_slice %arg6[%add3A_599, %dma_wait3A_901] : memref<16384x64xf32, #tpu.memory_space<hbm>> -> memref<128x64xf32, #tpu.memory_space<hbm>>
      %dma_wait3A_903 = arith.constant 0 : i32
      %dma_wait3A_904 = arith.constant 0 : i32
      %dma_wait3A_905 = tpu.memref_slice %arg13[%dma_wait3A_903, %dma_wait3A_904] : memref<128x128xf32, #tpu.memory_space<vmem>> -> memref<128x64xf32, #tpu.memory_space<vmem>>
      tpu.wait_dma2 semaphore(%run_scoped3A : memref<!tpu.dma_semaphore, #tpu.memory_space<semaphore_mem>>) src(%dma_wait3A_905 : memref<128x64xf32, #tpu.memory_space<vmem>>) dst(%dma_wait3A_902 : memref<128x64xf32, #tpu.memory_space<hbm>>)
      tpu.yield
    }) : () -> ()
    %add3A_685 = arith.constant 0 : i32
    %add3A_686 = arith.addi %add3A_599, %add3A_685 : i32
    %add3A_687 = vector.broadcast %add3A_686 : i32 to vector<16xi32>
    %add3A_688 = arith.addi %add3A_687, %iota3A : vector<16xi32>
    %swap3A_689 = arith.constant 0 : index
    %swap3A_690 = tpu.vector_load %arg11[%swap3A_689] {strides = array<i32>} : memref<128xi32, #tpu.memory_space<vmem>>, vector<16xi32>,
    %swap3A_691 = vector.shape_cast %swap3A_690 : vector<16xi32> to vector<16xi32>
    %swap3A_692 = vector.shape_cast %add3A_688 : vector<16xi32> to vector<16xi32>
    tpu.vector_store %arg11[%swap3A_689], %swap3A_692 {strides = array<i32>} : memref<128xi32, #tpu.memory_space<vmem>>, vector<16xi32>,
    %add3A_693 = arith.constant 16 : i32
    %add3A_694 = arith.addi %add3A_599, %add3A_693 : i32
    %add3A_695 = vector.broadcast %add3A_694 : i32 to vector<16xi32>
    %add3A_696 = arith.addi %add3A_695, %iota3A : vector<16xi32>
    %swap3A_697 = arith.constant 16 : index
    %swap3A_698 = tpu.vector_load %arg11[%swap3A_697] {strides = array<i32>} : memref<128xi32, #tpu.memory_space<vmem>>, vector<16xi32>,
    %swap3A_699 = vector.shape_cast %swap3A_698 : vector<16xi32> to vector<16xi32>
    %swap3A_700 = vector.shape_cast %add3A_696 : vector<16xi32> to vector<16xi32>
    tpu.vector_store %arg11[%swap3A_697], %swap3A_700 {strides = array<i32>} : memref<128xi32, #tpu.memory_space<vmem>>, vector<16xi32>,
    %add3A_701 = arith.constant 32 : i32
    %add3A_702 = arith.addi %add3A_599, %add3A_701 : i32
    %add3A_703 = vector.broadcast %add3A_702 : i32 to vector<16xi32>
    %add3A_704 = arith.addi %add3A_703, %iota3A : vector<16xi32>
    %swap3A_705 = arith.constant 32 : index
    %swap3A_706 = tpu.vector_load %arg11[%swap3A_705] {strides = array<i32>} : memref<128xi32, #tpu.memory_space<vmem>>, vector<16xi32>,
    %swap3A_707 = vector.shape_cast %swap3A_706 : vector<16xi32> to vector<16xi32>
    %swap3A_708 = vector.shape_cast %add3A_704 : vector<16xi32> to vector<16xi32>
    tpu.vector_store %arg11[%swap3A_705], %swap3A_708 {strides = array<i32>} : memref<128xi32, #tpu.memory_space<vmem>>, vector<16xi32>,
    %add3A_709 = arith.constant 48 : i32
    %add3A_710 = arith.addi %add3A_599, %add3A_709 : i32
    %add3A_711 = vector.broadcast %add3A_710 : i32 to vector<16xi32>
    %add3A_712 = arith.addi %add3A_711, %iota3A : vector<16xi32>
    %swap3A_713 = arith.constant 48 : index
    %swap3A_714 = tpu.vector_load %arg11[%swap3A_713] {strides = array<i32>} : memref<128xi32, #tpu.memory_space<vmem>>, vector<16xi32>,
    %swap3A_715 = vector.shape_cast %swap3A_714 : vector<16xi32> to vector<16xi32>
    %swap3A_716 = vector.shape_cast %add3A_712 : vector<16xi32> to vector<16xi32>
    tpu.vector_store %arg11[%swap3A_713], %swap3A_716 {strides = array<i32>} : memref<128xi32, #tpu.memory_space<vmem>>, vector<16xi32>,
    %add3A_717 = arith.constant 64 : i32
    %add3A_718 = arith.addi %add3A_599, %add3A_717 : i32
    %add3A_719 = vector.broadcast %add3A_718 : i32 to vector<16xi32>
    %add3A_720 = arith.addi %add3A_719, %iota3A : vector<16xi32>
    %swap3A_721 = arith.constant 64 : index
    %swap3A_722 = tpu.vector_load %arg11[%swap3A_721] {strides = array<i32>} : memref<128xi32, #tpu.memory_space<vmem>>, vector<16xi32>,
    %swap3A_723 = vector.shape_cast %swap3A_722 : vector<16xi32> to vector<16xi32>
    %swap3A_724 = vector.shape_cast %add3A_720 : vector<16xi32> to vector<16xi32>
    tpu.vector_store %arg11[%swap3A_721], %swap3A_724 {strides = array<i32>} : memref<128xi32, #tpu.memory_space<vmem>>, vector<16xi32>,
    %add3A_725 = arith.constant 80 : i32
    %add3A_726 = arith.addi %add3A_599, %add3A_725 : i32
    %add3A_727 = vector.broadcast %add3A_726 : i32 to vector<16xi32>
    %add3A_728 = arith.addi %add3A_727, %iota3A : vector<16xi32>
    %swap3A_729 = arith.constant 80 : index
    %swap3A_730 = tpu.vector_load %arg11[%swap3A_729] {strides = array<i32>} : memref<128xi32, #tpu.memory_space<vmem>>, vector<16xi32>,
    %swap3A_731 = vector.shape_cast %swap3A_730 : vector<16xi32> to vector<16xi32>
    %swap3A_732 = vector.shape_cast %add3A_728 : vector<16xi32> to vector<16xi32>
    tpu.vector_store %arg11[%swap3A_729], %swap3A_732 {strides = array<i32>} : memref<128xi32, #tpu.memory_space<vmem>>, vector<16xi32>,
    %add3A_733 = arith.constant 96 : i32
    %add3A_734 = arith.addi %add3A_599, %add3A_733 : i32
    %add3A_735 = vector.broadcast %add3A_734 : i32 to vector<16xi32>
    %add3A_736 = arith.addi %add3A_735, %iota3A : vector<16xi32>
    %swap3A_737 = arith.constant 96 : index
    %swap3A_738 = tpu.vector_load %arg11[%swap3A_737] {strides = array<i32>} : memref<128xi32, #tpu.memory_space<vmem>>, vector<16xi32>,
    %swap3A_739 = vector.shape_cast %swap3A_738 : vector<16xi32> to vector<16xi32>
    %swap3A_740 = vector.shape_cast %add3A_736 : vector<16xi32> to vector<16xi32>
    tpu.vector_store %arg11[%swap3A_737], %swap3A_740 {strides = array<i32>} : memref<128xi32, #tpu.memory_space<vmem>>, vector<16xi32>,
    %add3A_741 = arith.constant 112 : i32
    %add3A_742 = arith.addi %add3A_599, %add3A_741 : i32
    %add3A_743 = vector.broadcast %add3A_742 : i32 to vector<16xi32>
    %add3A_744 = arith.addi %add3A_743, %iota3A : vector<16xi32>
    %swap3A_745 = arith.constant 112 : index
    %swap3A_746 = tpu.vector_load %arg11[%swap3A_745] {strides = array<i32>} : memref<128xi32, #tpu.memory_space<vmem>>, vector<16xi32>,
    %swap3A_747 = vector.shape_cast %swap3A_746 : vector<16xi32> to vector<16xi32>
    %swap3A_748 = vector.shape_cast %add3A_744 : vector<16xi32> to vector<16xi32>
    tpu.vector_store %arg11[%swap3A_745], %swap3A_748 {strides = array<i32>} : memref<128xi32, #tpu.memory_space<vmem>>, vector<16xi32>,
    "tpu.region"() ({
      %run_scoped3A = tpu.sem_alloc : memref<!tpu.dma_semaphore, #tpu.memory_space<semaphore_mem>>
      %dma_start3A_886 = arith.constant 0 : i32
      %dma_start3A_887 = tpu.memref_slice %arg8[%dma_start3A_886] : memref<100000xi32, #tpu.memory_space<hbm>> -> memref<100000xi32, #tpu.memory_space<hbm>>
      tpu.enqueue_indirect_dma source(%arg11 : memref<128xi32, #tpu.memory_space<vmem>>) target(%dma_start3A_887 : memref<100000xi32, #tpu.memory_space<hbm>>) offsets(%arg10 : memref<128xi32, #tpu.memory_space<vmem>>) semaphore(%run_scoped3A : memref<!tpu.dma_semaphore, #tpu.memory_space<semaphore_mem>>)
      %dma_wait3A_888 = arith.constant 0 : i32
      %dma_wait3A_889 = tpu.memref_slice %arg8[%dma_wait3A_888] : memref<100000xi32, #tpu.memory_space<hbm>> -> memref<100000xi32, #tpu.memory_space<hbm>>
      tpu.wait_indirect_dma semaphore(%run_scoped3A : memref<!tpu.dma_semaphore, #tpu.memory_space<semaphore_mem>>) src(%arg11 : memref<128xi32, #tpu.memory_space<vmem>>) dst(%dma_wait3A_889 : memref<100000xi32, #tpu.memory_space<hbm>>)
      tpu.yield
    }) : () -> ()
    "tpu.region"() ({
      %run_scoped3A = tpu.sem_alloc : memref<!tpu.dma_semaphore, #tpu.memory_space<semaphore_mem>>
      %dma_start3A_886 = tpu.memref_slice %arg4[%add3A_607] : memref<16384xi32, #tpu.memory_space<hbm>> -> memref<128xi32, #tpu.memory_space<hbm>>
      %dma_start3A_887 = tpu.memref_slice %arg4[%add3A_607] : memref<16384xi32, #tpu.memory_space<hbm>> -> memref<128xi32, #tpu.memory_space<hbm>>
      tpu.enqueue_dma source(%dma_start3A_887 : memref<128xi32, #tpu.memory_space<hbm>>) target(%arg10 : memref<128xi32, #tpu.memory_space<vmem>>) target_semaphore(%run_scoped3A : memref<!tpu.dma_semaphore, #tpu.memory_space<semaphore_mem>>)
      %dma_wait3A_888 = tpu.memref_slice %arg4[%add3A_607] : memref<16384xi32, #tpu.memory_space<hbm>> -> memref<128xi32, #tpu.memory_space<hbm>>
      %dma_wait3A_889 = tpu.memref_slice %arg4[%add3A_607] : memref<16384xi32, #tpu.memory_space<hbm>> -> memref<128xi32, #tpu.memory_space<hbm>>
      tpu.wait_dma2 semaphore(%run_scoped3A : memref<!tpu.dma_semaphore, #tpu.memory_space<semaphore_mem>>) src(%dma_wait3A_889 : memref<128xi32, #tpu.memory_space<hbm>>) dst(%arg10 : memref<128xi32, #tpu.memory_space<vmem>>)
      tpu.yield
    }) : () -> ()
    %dma_start3A_749 = arith.constant 0 : i32
    %dma_start3A_750 = arith.constant 0 : i32
    %dma_start3A_751 = tpu.memref_slice %arg5[%dma_start3A_749, %dma_start3A_750] : memref<100000x128xf32, #tpu.memory_space<hbm>> -> memref<100000x128xf32, #tpu.memory_space<hbm>>
    tpu.enqueue_indirect_dma source(%dma_start3A_751 : memref<100000x128xf32, #tpu.memory_space<hbm>>) target(%arg13 : memref<128x128xf32, #tpu.memory_space<vmem>>) offsets(%arg10 : memref<128xi32, #tpu.memory_space<vmem>>) semaphore(%arg15 : memref<!tpu.dma_semaphore, #tpu.memory_space<semaphore_mem>>)
    %dma_wait3A_752 = arith.constant 0 : i32
    %dma_wait3A_753 = arith.constant 0 : i32
    %dma_wait3A_754 = tpu.memref_slice %arg5[%dma_wait3A_752, %dma_wait3A_753] : memref<100000x128xf32, #tpu.memory_space<hbm>> -> memref<100000x128xf32, #tpu.memory_space<hbm>>
    tpu.wait_indirect_dma semaphore(%arg14 : memref<!tpu.dma_semaphore, #tpu.memory_space<semaphore_mem>>) src(%dma_wait3A_754 : memref<100000x128xf32, #tpu.memory_space<hbm>>) dst(%arg12 : memref<128x128xf32, #tpu.memory_space<vmem>>)
    "tpu.region"() ({
      %run_scoped3A = tpu.sem_alloc : memref<!tpu.dma_semaphore, #tpu.memory_space<semaphore_mem>>
      %dma_start3A_886 = arith.constant 0 : i32
      %dma_start3A_887 = arith.constant 0 : i32
      %dma_start3A_888 = tpu.memref_slice %arg12[%dma_start3A_886, %dma_start3A_887] : memref<128x128xf32, #tpu.memory_space<vmem>> -> memref<128x64xf32, #tpu.memory_space<vmem>>
      %dma_start3A_889 = arith.constant 0 : i32
      %dma_start3A_890 = tpu.memref_slice %arg6[%add3A_603, %dma_start3A_889] : memref<16384x64xf32, #tpu.memory_space<hbm>> -> memref<128x64xf32, #tpu.memory_space<hbm>>
      %dma_start3A_891 = arith.constant 0 : i32
      %dma_start3A_892 = tpu.memref_slice %arg6[%add3A_603, %dma_start3A_891] : memref<16384x64xf32, #tpu.memory_space<hbm>> -> memref<128x64xf32, #tpu.memory_space<hbm>>
      %dma_start3A_893 = arith.constant 0 : i32
      %dma_start3A_894 = arith.constant 0 : i32
      %dma_start3A_895 = tpu.memref_slice %arg12[%dma_start3A_893, %dma_start3A_894] : memref<128x128xf32, #tpu.memory_space<vmem>> -> memref<128x64xf32, #tpu.memory_space<vmem>>
      tpu.enqueue_dma source(%dma_start3A_895 : memref<128x64xf32, #tpu.memory_space<vmem>>) target(%dma_start3A_892 : memref<128x64xf32, #tpu.memory_space<hbm>>) target_semaphore(%run_scoped3A : memref<!tpu.dma_semaphore, #tpu.memory_space<semaphore_mem>>)
      %dma_wait3A_896 = arith.constant 0 : i32
      %dma_wait3A_897 = arith.constant 0 : i32
      %dma_wait3A_898 = tpu.memref_slice %arg12[%dma_wait3A_896, %dma_wait3A_897] : memref<128x128xf32, #tpu.memory_space<vmem>> -> memref<128x64xf32, #tpu.memory_space<vmem>>
      %dma_wait3A_899 = arith.constant 0 : i32
      %dma_wait3A_900 = tpu.memref_slice %arg6[%add3A_603, %dma_wait3A_899] : memref<16384x64xf32, #tpu.memory_space<hbm>> -> memref<128x64xf32, #tpu.memory_space<hbm>>
      %dma_wait3A_901 = arith.constant 0 : i32
      %dma_wait3A_902 = tpu.memref_slice %arg6[%add3A_603, %dma_wait3A_901] : memref<16384x64xf32, #tpu.memory_space<hbm>> -> memref<128x64xf32, #tpu.memory_space<hbm>>
      %dma_wait3A_903 = arith.constant 0 : i32
      %dma_wait3A_904 = arith.constant 0 : i32
      %dma_wait3A_905 = tpu.memref_slice %arg12[%dma_wait3A_903, %dma_wait3A_904] : memref<128x128xf32, #tpu.memory_space<vmem>> -> memref<128x64xf32, #tpu.memory_space<vmem>>
      tpu.wait_dma2 semaphore(%run_scoped3A : memref<!tpu.dma_semaphore, #tpu.memory_space<semaphore_mem>>) src(%dma_wait3A_905 : memref<128x64xf32, #tpu.memory_space<vmem>>) dst(%dma_wait3A_902 : memref<128x64xf32, #tpu.memory_space<hbm>>)
      tpu.yield
    }) : () -> ()
    %add3A_755 = arith.constant 0 : i32
    %add3A_756 = arith.addi %add3A_603, %add3A_755 : i32
    %add3A_757 = vector.broadcast %add3A_756 : i32 to vector<16xi32>
    %add3A_758 = arith.addi %add3A_757, %iota3A : vector<16xi32>
    %swap3A_759 = arith.constant 0 : index
    %swap3A_760 = tpu.vector_load %arg11[%swap3A_759] {strides = array<i32>} : memref<128xi32, #tpu.memory_space<vmem>>, vector<16xi32>,
    %swap3A_761 = vector.shape_cast %swap3A_760 : vector<16xi32> to vector<16xi32>
    %swap3A_762 = vector.shape_cast %add3A_758 : vector<16xi32> to vector<16xi32>
    tpu.vector_store %arg11[%swap3A_759], %swap3A_762 {strides = array<i32>} : memref<128xi32, #tpu.memory_space<vmem>>, vector<16xi32>,
    %add3A_763 = arith.constant 16 : i32
    %add3A_764 = arith.addi %add3A_603, %add3A_763 : i32
    %add3A_765 = vector.broadcast %add3A_764 : i32 to vector<16xi32>
    %add3A_766 = arith.addi %add3A_765, %iota3A : vector<16xi32>
    %swap3A_767 = arith.constant 16 : index
    %swap3A_768 = tpu.vector_load %arg11[%swap3A_767] {strides = array<i32>} : memref<128xi32, #tpu.memory_space<vmem>>, vector<16xi32>,
    %swap3A_769 = vector.shape_cast %swap3A_768 : vector<16xi32> to vector<16xi32>
    %swap3A_770 = vector.shape_cast %add3A_766 : vector<16xi32> to vector<16xi32>
    tpu.vector_store %arg11[%swap3A_767], %swap3A_770 {strides = array<i32>} : memref<128xi32, #tpu.memory_space<vmem>>, vector<16xi32>,
    %add3A_771 = arith.constant 32 : i32
    %add3A_772 = arith.addi %add3A_603, %add3A_771 : i32
    %add3A_773 = vector.broadcast %add3A_772 : i32 to vector<16xi32>
    %add3A_774 = arith.addi %add3A_773, %iota3A : vector<16xi32>
    %swap3A_775 = arith.constant 32 : index
    %swap3A_776 = tpu.vector_load %arg11[%swap3A_775] {strides = array<i32>} : memref<128xi32, #tpu.memory_space<vmem>>, vector<16xi32>,
    %swap3A_777 = vector.shape_cast %swap3A_776 : vector<16xi32> to vector<16xi32>
    %swap3A_778 = vector.shape_cast %add3A_774 : vector<16xi32> to vector<16xi32>
    tpu.vector_store %arg11[%swap3A_775], %swap3A_778 {strides = array<i32>} : memref<128xi32, #tpu.memory_space<vmem>>, vector<16xi32>,
    %add3A_779 = arith.constant 48 : i32
    %add3A_780 = arith.addi %add3A_603, %add3A_779 : i32
    %add3A_781 = vector.broadcast %add3A_780 : i32 to vector<16xi32>
    %add3A_782 = arith.addi %add3A_781, %iota3A : vector<16xi32>
    %swap3A_783 = arith.constant 48 : index
    %swap3A_784 = tpu.vector_load %arg11[%swap3A_783] {strides = array<i32>} : memref<128xi32, #tpu.memory_space<vmem>>, vector<16xi32>,
    %swap3A_785 = vector.shape_cast %swap3A_784 : vector<16xi32> to vector<16xi32>
    %swap3A_786 = vector.shape_cast %add3A_782 : vector<16xi32> to vector<16xi32>
    tpu.vector_store %arg11[%swap3A_783], %swap3A_786 {strides = array<i32>} : memref<128xi32, #tpu.memory_space<vmem>>, vector<16xi32>,
    %add3A_787 = arith.constant 64 : i32
    %add3A_788 = arith.addi %add3A_603, %add3A_787 : i32
    %add3A_789 = vector.broadcast %add3A_788 : i32 to vector<16xi32>
    %add3A_790 = arith.addi %add3A_789, %iota3A : vector<16xi32>
    %swap3A_791 = arith.constant 64 : index
    %swap3A_792 = tpu.vector_load %arg11[%swap3A_791] {strides = array<i32>} : memref<128xi32, #tpu.memory_space<vmem>>, vector<16xi32>,
    %swap3A_793 = vector.shape_cast %swap3A_792 : vector<16xi32> to vector<16xi32>
    %swap3A_794 = vector.shape_cast %add3A_790 : vector<16xi32> to vector<16xi32>
    tpu.vector_store %arg11[%swap3A_791], %swap3A_794 {strides = array<i32>} : memref<128xi32, #tpu.memory_space<vmem>>, vector<16xi32>,
    %add3A_795 = arith.constant 80 : i32
    %add3A_796 = arith.addi %add3A_603, %add3A_795 : i32
    %add3A_797 = vector.broadcast %add3A_796 : i32 to vector<16xi32>
    %add3A_798 = arith.addi %add3A_797, %iota3A : vector<16xi32>
    %swap3A_799 = arith.constant 80 : index
    %swap3A_800 = tpu.vector_load %arg11[%swap3A_799] {strides = array<i32>} : memref<128xi32, #tpu.memory_space<vmem>>, vector<16xi32>,
    %swap3A_801 = vector.shape_cast %swap3A_800 : vector<16xi32> to vector<16xi32>
    %swap3A_802 = vector.shape_cast %add3A_798 : vector<16xi32> to vector<16xi32>
    tpu.vector_store %arg11[%swap3A_799], %swap3A_802 {strides = array<i32>} : memref<128xi32, #tpu.memory_space<vmem>>, vector<16xi32>,
    %add3A_803 = arith.constant 96 : i32
    %add3A_804 = arith.addi %add3A_603, %add3A_803 : i32
    %add3A_805 = vector.broadcast %add3A_804 : i32 to vector<16xi32>
    %add3A_806 = arith.addi %add3A_805, %iota3A : vector<16xi32>
    %swap3A_807 = arith.constant 96 : index
    %swap3A_808 = tpu.vector_load %arg11[%swap3A_807] {strides = array<i32>} : memref<128xi32, #tpu.memory_space<vmem>>, vector<16xi32>,
    %swap3A_809 = vector.shape_cast %swap3A_808 : vector<16xi32> to vector<16xi32>
    %swap3A_810 = vector.shape_cast %add3A_806 : vector<16xi32> to vector<16xi32>
    tpu.vector_store %arg11[%swap3A_807], %swap3A_810 {strides = array<i32>} : memref<128xi32, #tpu.memory_space<vmem>>, vector<16xi32>,
    %add3A_811 = arith.constant 112 : i32
    %add3A_812 = arith.addi %add3A_603, %add3A_811 : i32
    %add3A_813 = vector.broadcast %add3A_812 : i32 to vector<16xi32>
    %add3A_814 = arith.addi %add3A_813, %iota3A : vector<16xi32>
    %swap3A_815 = arith.constant 112 : index
    %swap3A_816 = tpu.vector_load %arg11[%swap3A_815] {strides = array<i32>} : memref<128xi32, #tpu.memory_space<vmem>>, vector<16xi32>,
    %swap3A_817 = vector.shape_cast %swap3A_816 : vector<16xi32> to vector<16xi32>
    %swap3A_818 = vector.shape_cast %add3A_814 : vector<16xi32> to vector<16xi32>
    tpu.vector_store %arg11[%swap3A_815], %swap3A_818 {strides = array<i32>} : memref<128xi32, #tpu.memory_space<vmem>>, vector<16xi32>,
    "tpu.region"() ({
      %run_scoped3A = tpu.sem_alloc : memref<!tpu.dma_semaphore, #tpu.memory_space<semaphore_mem>>
      %dma_start3A_886 = arith.constant 0 : i32
      %dma_start3A_887 = tpu.memref_slice %arg8[%dma_start3A_886] : memref<100000xi32, #tpu.memory_space<hbm>> -> memref<100000xi32, #tpu.memory_space<hbm>>
      tpu.enqueue_indirect_dma source(%arg11 : memref<128xi32, #tpu.memory_space<vmem>>) target(%dma_start3A_887 : memref<100000xi32, #tpu.memory_space<hbm>>) offsets(%arg9 : memref<128xi32, #tpu.memory_space<vmem>>) semaphore(%run_scoped3A : memref<!tpu.dma_semaphore, #tpu.memory_space<semaphore_mem>>)
      %dma_wait3A_888 = arith.constant 0 : i32
      %dma_wait3A_889 = tpu.memref_slice %arg8[%dma_wait3A_888] : memref<100000xi32, #tpu.memory_space<hbm>> -> memref<100000xi32, #tpu.memory_space<hbm>>
      tpu.wait_indirect_dma semaphore(%run_scoped3A : memref<!tpu.dma_semaphore, #tpu.memory_space<semaphore_mem>>) src(%arg11 : memref<128xi32, #tpu.memory_space<vmem>>) dst(%dma_wait3A_889 : memref<100000xi32, #tpu.memory_space<hbm>>)
      tpu.yield
    }) : () -> ()
    %dma_wait3A_819 = arith.constant 0 : i32
    %dma_wait3A_820 = arith.constant 0 : i32
    %dma_wait3A_821 = tpu.memref_slice %arg5[%dma_wait3A_819, %dma_wait3A_820] : memref<100000x128xf32, #tpu.memory_space<hbm>> -> memref<100000x128xf32, #tpu.memory_space<hbm>>
    tpu.wait_indirect_dma semaphore(%arg15 : memref<!tpu.dma_semaphore, #tpu.memory_space<semaphore_mem>>) src(%dma_wait3A_821 : memref<100000x128xf32, #tpu.memory_space<hbm>>) dst(%arg13 : memref<128x128xf32, #tpu.memory_space<vmem>>)
    "tpu.region"() ({
      %run_scoped3A = tpu.sem_alloc : memref<!tpu.dma_semaphore, #tpu.memory_space<semaphore_mem>>
      %dma_start3A_886 = arith.constant 0 : i32
      %dma_start3A_887 = arith.constant 0 : i32
      %dma_start3A_888 = tpu.memref_slice %arg13[%dma_start3A_886, %dma_start3A_887] : memref<128x128xf32, #tpu.memory_space<vmem>> -> memref<128x64xf32, #tpu.memory_space<vmem>>
      %dma_start3A_889 = arith.constant 0 : i32
      %dma_start3A_890 = tpu.memref_slice %arg6[%add3A_607, %dma_start3A_889] : memref<16384x64xf32, #tpu.memory_space<hbm>> -> memref<128x64xf32, #tpu.memory_space<hbm>>
      %dma_start3A_891 = arith.constant 0 : i32
      %dma_start3A_892 = tpu.memref_slice %arg6[%add3A_607, %dma_start3A_891] : memref<16384x64xf32, #tpu.memory_space<hbm>> -> memref<128x64xf32, #tpu.memory_space<hbm>>
      %dma_start3A_893 = arith.constant 0 : i32
      %dma_start3A_894 = arith.constant 0 : i32
      %dma_start3A_895 = tpu.memref_slice %arg13[%dma_start3A_893, %dma_start3A_894] : memref<128x128xf32, #tpu.memory_space<vmem>> -> memref<128x64xf32, #tpu.memory_space<vmem>>
      tpu.enqueue_dma source(%dma_start3A_895 : memref<128x64xf32, #tpu.memory_space<vmem>>) target(%dma_start3A_892 : memref<128x64xf32, #tpu.memory_space<hbm>>) target_semaphore(%run_scoped3A : memref<!tpu.dma_semaphore, #tpu.memory_space<semaphore_mem>>)
      %dma_wait3A_896 = arith.constant 0 : i32
      %dma_wait3A_897 = arith.constant 0 : i32
      %dma_wait3A_898 = tpu.memref_slice %arg13[%dma_wait3A_896, %dma_wait3A_897] : memref<128x128xf32, #tpu.memory_space<vmem>> -> memref<128x64xf32, #tpu.memory_space<vmem>>
      %dma_wait3A_899 = arith.constant 0 : i32
      %dma_wait3A_900 = tpu.memref_slice %arg6[%add3A_607, %dma_wait3A_899] : memref<16384x64xf32, #tpu.memory_space<hbm>> -> memref<128x64xf32, #tpu.memory_space<hbm>>
      %dma_wait3A_901 = arith.constant 0 : i32
      %dma_wait3A_902 = tpu.memref_slice %arg6[%add3A_607, %dma_wait3A_901] : memref<16384x64xf32, #tpu.memory_space<hbm>> -> memref<128x64xf32, #tpu.memory_space<hbm>>
      %dma_wait3A_903 = arith.constant 0 : i32
      %dma_wait3A_904 = arith.constant 0 : i32
      %dma_wait3A_905 = tpu.memref_slice %arg13[%dma_wait3A_903, %dma_wait3A_904] : memref<128x128xf32, #tpu.memory_space<vmem>> -> memref<128x64xf32, #tpu.memory_space<vmem>>
      tpu.wait_dma2 semaphore(%run_scoped3A : memref<!tpu.dma_semaphore, #tpu.memory_space<semaphore_mem>>) src(%dma_wait3A_905 : memref<128x64xf32, #tpu.memory_space<vmem>>) dst(%dma_wait3A_902 : memref<128x64xf32, #tpu.memory_space<hbm>>)
      tpu.yield
    }) : () -> ()
    %add3A_822 = arith.constant 0 : i32
    %add3A_823 = arith.addi %add3A_607, %add3A_822 : i32
    %add3A_824 = vector.broadcast %add3A_823 : i32 to vector<16xi32>
    %add3A_825 = arith.addi %add3A_824, %iota3A : vector<16xi32>
    %swap3A_826 = arith.constant 0 : index
    %swap3A_827 = tpu.vector_load %arg11[%swap3A_826] {strides = array<i32>} : memref<128xi32, #tpu.memory_space<vmem>>, vector<16xi32>,
    %swap3A_828 = vector.shape_cast %swap3A_827 : vector<16xi32> to vector<16xi32>
    %swap3A_829 = vector.shape_cast %add3A_825 : vector<16xi32> to vector<16xi32>
    tpu.vector_store %arg11[%swap3A_826], %swap3A_829 {strides = array<i32>} : memref<128xi32, #tpu.memory_space<vmem>>, vector<16xi32>,
    %add3A_830 = arith.constant 16 : i32
    %add3A_831 = arith.addi %add3A_607, %add3A_830 : i32
    %add3A_832 = vector.broadcast %add3A_831 : i32 to vector<16xi32>
    %add3A_833 = arith.addi %add3A_832, %iota3A : vector<16xi32>
    %swap3A_834 = arith.constant 16 : index
    %swap3A_835 = tpu.vector_load %arg11[%swap3A_834] {strides = array<i32>} : memref<128xi32, #tpu.memory_space<vmem>>, vector<16xi32>,
    %swap3A_836 = vector.shape_cast %swap3A_835 : vector<16xi32> to vector<16xi32>
    %swap3A_837 = vector.shape_cast %add3A_833 : vector<16xi32> to vector<16xi32>
    tpu.vector_store %arg11[%swap3A_834], %swap3A_837 {strides = array<i32>} : memref<128xi32, #tpu.memory_space<vmem>>, vector<16xi32>,
    %add3A_838 = arith.constant 32 : i32
    %add3A_839 = arith.addi %add3A_607, %add3A_838 : i32
    %add3A_840 = vector.broadcast %add3A_839 : i32 to vector<16xi32>
    %add3A_841 = arith.addi %add3A_840, %iota3A : vector<16xi32>
    %swap3A_842 = arith.constant 32 : index
    %swap3A_843 = tpu.vector_load %arg11[%swap3A_842] {strides = array<i32>} : memref<128xi32, #tpu.memory_space<vmem>>, vector<16xi32>,
    %swap3A_844 = vector.shape_cast %swap3A_843 : vector<16xi32> to vector<16xi32>
    %swap3A_845 = vector.shape_cast %add3A_841 : vector<16xi32> to vector<16xi32>
    tpu.vector_store %arg11[%swap3A_842], %swap3A_845 {strides = array<i32>} : memref<128xi32, #tpu.memory_space<vmem>>, vector<16xi32>,
    %add3A_846 = arith.constant 48 : i32
    %add3A_847 = arith.addi %add3A_607, %add3A_846 : i32
    %add3A_848 = vector.broadcast %add3A_847 : i32 to vector<16xi32>
    %add3A_849 = arith.addi %add3A_848, %iota3A : vector<16xi32>
    %swap3A_850 = arith.constant 48 : index
    %swap3A_851 = tpu.vector_load %arg11[%swap3A_850] {strides = array<i32>} : memref<128xi32, #tpu.memory_space<vmem>>, vector<16xi32>,
    %swap3A_852 = vector.shape_cast %swap3A_851 : vector<16xi32> to vector<16xi32>
    %swap3A_853 = vector.shape_cast %add3A_849 : vector<16xi32> to vector<16xi32>
    tpu.vector_store %arg11[%swap3A_850], %swap3A_853 {strides = array<i32>} : memref<128xi32, #tpu.memory_space<vmem>>, vector<16xi32>,
    %add3A_854 = arith.constant 64 : i32
    %add3A_855 = arith.addi %add3A_607, %add3A_854 : i32
    %add3A_856 = vector.broadcast %add3A_855 : i32 to vector<16xi32>
    %add3A_857 = arith.addi %add3A_856, %iota3A : vector<16xi32>
    %swap3A_858 = arith.constant 64 : index
    %swap3A_859 = tpu.vector_load %arg11[%swap3A_858] {strides = array<i32>} : memref<128xi32, #tpu.memory_space<vmem>>, vector<16xi32>,
    %swap3A_860 = vector.shape_cast %swap3A_859 : vector<16xi32> to vector<16xi32>
    %swap3A_861 = vector.shape_cast %add3A_857 : vector<16xi32> to vector<16xi32>
    tpu.vector_store %arg11[%swap3A_858], %swap3A_861 {strides = array<i32>} : memref<128xi32, #tpu.memory_space<vmem>>, vector<16xi32>,
    %add3A_862 = arith.constant 80 : i32
    %add3A_863 = arith.addi %add3A_607, %add3A_862 : i32
    %add3A_864 = vector.broadcast %add3A_863 : i32 to vector<16xi32>
    %add3A_865 = arith.addi %add3A_864, %iota3A : vector<16xi32>
    %swap3A_866 = arith.constant 80 : index
    %swap3A_867 = tpu.vector_load %arg11[%swap3A_866] {strides = array<i32>} : memref<128xi32, #tpu.memory_space<vmem>>, vector<16xi32>,
    %swap3A_868 = vector.shape_cast %swap3A_867 : vector<16xi32> to vector<16xi32>
    %swap3A_869 = vector.shape_cast %add3A_865 : vector<16xi32> to vector<16xi32>
    tpu.vector_store %arg11[%swap3A_866], %swap3A_869 {strides = array<i32>} : memref<128xi32, #tpu.memory_space<vmem>>, vector<16xi32>,
    %add3A_870 = arith.constant 96 : i32
    %add3A_871 = arith.addi %add3A_607, %add3A_870 : i32
    %add3A_872 = vector.broadcast %add3A_871 : i32 to vector<16xi32>
    %add3A_873 = arith.addi %add3A_872, %iota3A : vector<16xi32>
    %swap3A_874 = arith.constant 96 : index
    %swap3A_875 = tpu.vector_load %arg11[%swap3A_874] {strides = array<i32>} : memref<128xi32, #tpu.memory_space<vmem>>, vector<16xi32>,
    %swap3A_876 = vector.shape_cast %swap3A_875 : vector<16xi32> to vector<16xi32>
    %swap3A_877 = vector.shape_cast %add3A_873 : vector<16xi32> to vector<16xi32>
    tpu.vector_store %arg11[%swap3A_874], %swap3A_877 {strides = array<i32>} : memref<128xi32, #tpu.memory_space<vmem>>, vector<16xi32>,
    %add3A_878 = arith.constant 112 : i32
    %add3A_879 = arith.addi %add3A_607, %add3A_878 : i32
    %add3A_880 = vector.broadcast %add3A_879 : i32 to vector<16xi32>
    %add3A_881 = arith.addi %add3A_880, %iota3A : vector<16xi32>
    %swap3A_882 = arith.constant 112 : index
    %swap3A_883 = tpu.vector_load %arg11[%swap3A_882] {strides = array<i32>} : memref<128xi32, #tpu.memory_space<vmem>>, vector<16xi32>,
    %swap3A_884 = vector.shape_cast %swap3A_883 : vector<16xi32> to vector<16xi32>
    %swap3A_885 = vector.shape_cast %add3A_881 : vector<16xi32> to vector<16xi32>
    tpu.vector_store %arg11[%swap3A_882], %swap3A_885 {strides = array<i32>} : memref<128xi32, #tpu.memory_space<vmem>>, vector<16xi32>,
    "tpu.region"() ({
      %run_scoped3A = tpu.sem_alloc : memref<!tpu.dma_semaphore, #tpu.memory_space<semaphore_mem>>
      %dma_start3A_886 = arith.constant 0 : i32
      %dma_start3A_887 = tpu.memref_slice %arg8[%dma_start3A_886] : memref<100000xi32, #tpu.memory_space<hbm>> -> memref<100000xi32, #tpu.memory_space<hbm>>
      tpu.enqueue_indirect_dma source(%arg11 : memref<128xi32, #tpu.memory_space<vmem>>) target(%dma_start3A_887 : memref<100000xi32, #tpu.memory_space<hbm>>) offsets(%arg10 : memref<128xi32, #tpu.memory_space<vmem>>) semaphore(%run_scoped3A : memref<!tpu.dma_semaphore, #tpu.memory_space<semaphore_mem>>)
      %dma_wait3A_888 = arith.constant 0 : i32
      %dma_wait3A_889 = tpu.memref_slice %arg8[%dma_wait3A_888] : memref<100000xi32, #tpu.memory_space<hbm>> -> memref<100000xi32, #tpu.memory_space<hbm>>
      tpu.wait_indirect_dma semaphore(%run_scoped3A : memref<!tpu.dma_semaphore, #tpu.memory_space<semaphore_mem>>) src(%arg11 : memref<128xi32, #tpu.memory_space<vmem>>) dst(%dma_wait3A_889 : memref<100000xi32, #tpu.memory_space<hbm>>)
      tpu.yield
    }) : () -> ()
    return
  }
}

</mosaic_0001>

<sc_bundles>
// kernel: _sc_cas_slotmap.3.cloned.1.call-start
scs
__scs_entry_jumppad:
0x0: {  	(pc) =	sbr.rel $0x88, $3  }
0x1: {  	(tag) =	ssettag $0x0;
	lr =	simm.s32 $0x1  }
0x2: {  	[smem:$0x3F9D] =	sst lr;
	_ =	strace $0xD0000000  }
0x3: {  	_ = 	snop  }
0x4: {  	_ = 	snop  }
0x5: {  	_ = 	snop  }
0x6: {  	_ = 	snop  }
0x7: {  	_ = 	snop  }
__scs_overlays_trampoline_lowered:
0x8: {  	[smem:$0x3FAC] =	sst s0  }
0x9: {  	[smem:$0x3FAD] =	sst s1  }
0xa: {  	[smem:$0x3FAE] =	sst s2  }
0xb: {  	[smem:$0x3FAF] =	sst s3  }
0xc: {  	[smem:$0x3FB0] =	sst s4  }
0xd: {  	[smem:$0x3FB1] =	sst s5  }
0xe: {  	[smem:$0x3FB2] =	sst s6  }
0xf: {  	[smem:$0x3FB3] =	sst s7  }
0x10: {  	[smem:$0x3FB4] =	sst s8  }
0x11: {  	[smem:$0x3FB5] =	sst s9;
	s0 =	simm.s32 @!p0 $0x0  }
0x12: {  	s1 =	sld [smem:$0x3F9B];
	s0 =	simm.s32 @p0 $0x1  }
0x13: {  	[smem:$0x3FB6] =	sst s0;
	s0 =	simm.s32 @!p1 $0x0  }
0x14: {  	s2 =	sld [smem:$0x3F9A];
	s0 =	simm.s32 @p1 $0x1  }
0x15: {  	[smem:$0x3FB7] =	sst s0;
	s0 =	simm.s32 @!p2 $0x0  }
0x16: {  	s3 =	sld [smem:$0x3FDB];
	s0 =	simm.s32 @p2 $0x1  }
0x17: {  	s4 =	simm.s32 $0x1BF5;
	[smem:$0x3FB9] =	sst s0  }
0x18: {  	s0 =	sld [smem:$0x3F9C];
	_ =	swait.ge [sflag:s4], $0x0  }
0x19: {  	s7 =	sld [smem:$0x3F9D]  }
0x1a: {  	s8 =	sadd.s32 $0xFFFFE003, lr  }
0x1b: {  	s9 =	sadd.s32 $0xFFFFFEF7, lr;
	s5 =	simm.s32 $0xFFFFFFFF;
	p2 =	slt.u32 s8, $0xFFFFF086  }
0x1c: {  	p1 =	slt.u32 s9, $0xF7A;
	s5 =	simm.s32 @!p2 $0x0  }
0x1d: {  	s5 =	simm.s32 @p1 $0x1;
	p0 =	seq.s32 s7, s2  }
0x1e: {  	s7 =	smul.u32 @!p0 $0xF7A, s2;
	p2 =	seq.s32 @!p0 s5, $0x0  }
0x1f: {  	s9 =	smul.u32 $0xF7A, s1;
	s8 =	simm.s32 @!p0 $0x1BF5;
	p2 =	por !p2, p0  }
0x20: {  	[sflag:s8] =	ssyncset.s32 @!p0 $0xFFFFF086;
	s6 =	sadd.s32 @!p0 s3, s7;
	s7 =	simm.s32 @!p0 $0x108  }
0x21: {  	s3 =	sadd.s32 s3, s9;
	s6 =	sadd.s32 @!p0 $0x88, s6;
	s7 =	simm.s32 @p2 $0x1082  }
0x22: {  	[simem:s7], [sflag:s8] =	dma.local @!p0 [hbm:s6], $0xF7A  }
0x23: {  	s9 =	sor.u32 $0xD0000000, s2;
	s6 =	simm.s32 $0x108;
	_ =	swait.ge @!p0 [sflag:s8], $0x0  }
0x24: {  	s3 =	sadd.s32 $0x88, s3;
	s6 =	simm.s32 @!p1 $0x1082;
	[sflag:s4] =	ssyncset.s32 $0xFFFFF086  }
0x25: {  	[simem:s6], [sflag:s4] =	dma.local [hbm:s3], $0xF7A  }
0x26: {  	[smem:$0x3F9D] =	sst s1;
	(tag) =	ssettag s2;
	_ =	strace s9  }
0x27: {  	s1 =	sld [smem:$0x3FAD]  }
0x28: {  	s2 =	sld [smem:$0x3FAE]  }
0x29: {  	s4 =	sld [smem:$0x3FB0]  }
0x2a: {  	p0 =	seq.s32 s5, $0x0;
	s5 =	sld [smem:$0x3FB1]  }
0x2b: {  	s6 =	sld [smem:$0x3FB2]  }
0x2c: {  	s7 =	sld [smem:$0x3FB3]  }
0x2d: {  	s3 =	simm.s32 $0x108;
	s8 =	sld [smem:$0x3FB4]  }
0x2e: {  	s3 =	simm.s32 @!p0 $0x1082;
	s9 =	sld [smem:$0x3FB5]  }
0x2f: {  	lr =	sadd.s32 s0, s3;
	s0 =	sld [smem:$0x3FAC]  }
0x30: {  	s3 =	sld [smem:$0x3FAF]  }
0x31: {  	[smem:$0x3FB8] =	sst s10  }
0x32: {  	s10 =	sld [smem:$0x3FB6];
	_ =	sdelay $0x3  }
0x33: {  	p0 =	seq.s32 s10, $0x1;
	s10 =	sld [smem:$0x3FB8];
	_ =	sdelay $0x3  }
0x34: {  	[smem:$0x3FB8] =	sst s10  }
0x35: {  	s10 =	sld [smem:$0x3FB7];
	_ =	sdelay $0x3  }
0x36: {  	p1 =	seq.s32 s10, $0x1;
	s10 =	sld [smem:$0x3FB8];
	_ =	sdelay $0x3  }
0x37: {  	[smem:$0x3FB8] =	sst s10  }
0x38: {  	s10 =	sld [smem:$0x3FB9]  }
0x39: {  	_ = 	snop;
	(pc) =	sbr.ind lr, $3  }
0x3a: {  	_ = 	snop  }
0x3b: {  	_ = 	snop  }
0x3c: {  	p2 =	seq.s32 s10, $0x1;
	s10 =	sld [smem:$0x3FB8]  }
0x3d: {  	_ =	shalt  }
0x3e: {  	_ =	shalt  }
0x3f: {  	_ =	shalt  }
0x40: {  	_ =	shalt  }
0x41: {  	_ =	shalt  }
0x42: {  	_ =	shalt  }
0x43: {  	_ =	shalt  }
0x44: {  	_ =	shalt  }
0x45: {  	_ =	shalt  }
0x46: {  	_ =	shalt  }
0x47: {  	_ =	shalt  }
0x48: {  	_ =	shalt  }
0x49: {  	_ =	shalt  }
0x4a: {  	_ =	shalt  }
0x4b: {  	_ =	shalt  }
0x4c: {  	_ =	shalt  }
0x4d: {  	_ =	shalt  }
0x4e: {  	_ =	shalt  }
0x4f: {  	_ =	shalt  }
0x50: {  	_ =	shalt  }
0x51: {  	_ =	shalt  }
0x52: {  	_ =	shalt  }
0x53: {  	_ =	shalt  }
0x54: {  	_ =	shalt  }
0x55: {  	_ =	shalt  }
0x56: {  	_ =	shalt  }
0x57: {  	_ =	shalt  }
0x58: {  	_ =	shalt  }
0x59: {  	_ =	shalt  }
0x5a: {  	_ =	shalt  }
0x5b: {  	_ =	shalt  }
0x5c: {  	_ =	shalt  }
0x5d: {  	_ =	shalt  }
0x5e: {  	_ =	shalt  }
0x5f: {  	_ =	shalt  }
0x60: {  	_ =	shalt  }
0x61: {  	_ =	shalt  }
0x62: {  	_ =	shalt  }
0x63: {  	_ =	shalt  }
0x64: {  	_ =	shalt  }
0x65: {  	_ =	shalt  }
0x66: {  	_ =	shalt  }
0x67: {  	_ =	shalt  }
0x68: {  	_ =	shalt  }
0x69: {  	_ =	shalt  }
0x6a: {  	_ =	shalt  }
0x6b: {  	_ =	shalt  }
0x6c: {  	_ =	shalt  }
0x6d: {  	_ =	shalt  }
0x6e: {  	_ =	shalt  }
0x6f: {  	_ =	shalt  }
0x70: {  	_ =	shalt  }
0x71: {  	_ =	shalt  }
0x72: {  	_ =	shalt  }
0x73: {  	_ =	shalt  }
0x74: {  	_ =	shalt  }
0x75: {  	_ =	shalt  }
0x76: {  	_ =	shalt  }
0x77: {  	_ =	shalt  }
0x78: {  	_ =	shalt  }
0x79: {  	_ =	shalt  }
0x7a: {  	_ =	shalt  }
0x7b: {  	_ =	shalt  }
0x7c: {  	_ =	shalt  }
0x7d: {  	_ =	shalt  }
0x7e: {  	_ =	shalt  }
0x7f: {  	_ =	shalt  }
0x80: {  	_ =	shalt  }
0x81: {  	_ =	shalt  }
0x82: {  	_ =	shalt  }
0x83: {  	_ =	shalt  }
0x84: {  	_ =	shalt  }
0x85: {  	_ =	shalt  }
0x86: {  	_ =	shalt  }
0x87: {  	_ =	shalt  }
.Lfunc_end0:
.L_simem_size_0:
called_computation_lowered:
.L_overlay_start_0:
0x88: {  	s2 =	sld [smem:$0x3FD9]  }
0x89: {  	s3 =	sld [smem:$0x3FFE];
	_ =	sdelay $0x1  }
0x8a: {  	s1 =	srdreg.scid  }
0x8b: {  	s0 =	sand.u32 $0x1, s1  }
0x8c: {  	s15 =	sshll.u32 s0, $0xA;
	s2 =	sadd.s32 s3, s2  }
0x8d: {  	s2 =	sadd.s32 s2, s15  }
0x8e: {  	[smem:$0x3FC4] =	sst s2  }
0x8f: {  	_ = 	snop  }
0x90: {  	s2 =	sld [smem:$0x3FC9]  }
0x91: {  	s16 =	sld [smem:$0x3FD0]  }
0x92: {  	s4 =	sld [smem:$0x3FC8]  }
0x93: {  	s5 =	sld [smem:$0x3FC7]  }
0x94: {  	s7 =	simm.s32 $0xA;
	s8 =	simm.s32 $0x10;
	s6 =	sld [smem:$0x3FC6]  }
0x95: {  	[smem:s8], [sflag:s7] =	dma.local [hbm:s16], $0x1  }
0x96: {  	_ =	swait.eq [sflag:s7], $0x1  }
0x97: {  	s17 =	sld [smem:$0x10];
	[sflag:s7] =	ssyncset.done $0x0  }
0x98: {  	s18 =	sld [smem:$0x11];
	[sflag:s7] =	ssyncadd.s32 $0xFFFFFFFF  }
0x99: {  	s19 =	sld [smem:$0x12];
	(tm) =	ssettm $0x1  }
0x9a: {  	s9 =	sld [smem:$0x3FFB];
	_ =	sdelay $0x3  }
0x9b: {  	_ =	strace s9  }
0x9c: {  	s9 =	sld [smem:$0x3FFC];
	_ =	sdelay $0x3  }
0x9d: {  	_ =	strace s9  }
0x9e: {  	s9 =	sld [smem:$0x3FFD];
	_ =	sdelay $0x3  }
0x9f: {  	_ =	strace s9  }
0xa0: {  	_ =	strace $0x8FFFFFFF  }
0xa1: {  	s20 =	sld [smem:$0x3FDB];
	_ =	sdelay $0x1  }
0xa2: {  	s10 =	simm.s32 $_scs_section_size  }
0xa3: {  	s11 =	simm.s32 $_size__tile_overlayer_lowered;
	s12 =	simm.s32 $_tile_overlayer_lowered  }
0xa4: {  	s23 =	simm.s32 $0x1BFF;
	s22 =	sshll.u32 s12, $0x1;
	s9 =	sadd.s32 s10, s20  }
0xa5: {  	s13 =	simm.s32 $0x0;
	s21 =	sshll.u32 s11, $0x1;
	s11 =	sadd.s32 s22, s9  }
0xa6: {  	[timem:s13], [sflag:s23] =	dma.local [hbm:s11], s21  }
0xa7: {  	_ =	swait.ge [sflag:s23], s21  }
0xa8: {  	s10 =	ssub.s32 $0x0, s21;
	[sflag:s23] =	ssyncset.done $0x0  }
0xa9: {  	[sflag:s23] =	ssyncadd.s32 s10;
	_ =	sdelay $0x1  }
0xaa: {  	s24 =	simm.s32 $0x1B8B  }
0xab: {  	_ =	swait.ge [sflag:s24], $0x1  }
0xac: {  	[sflag:s24] =	ssyncset.done $0x0  }
0xad: {  	s25 =	simm.s32 $0x1B8E;
	[sflag:s24] =	ssyncadd.s32 $0xFFFFFFFF  }
0xae: {  	s26 =	simm.s32 $execute0_lowered;
	[smem:$0x3FD2] =	sst s25  }
0xaf: {  	s10 =	sshll.u32 s26, $0x1;
	_ =	strace $0x80000046;
	[dreg:$0x1] =	wrdreg $0xFFFFFFFF  }
0xb0: {  	s28 =	simm.s32 $_size_execute0_lowered;
	s9 =	sadd.s32 s9, s10;
	[dreg:$0x0] =	wrdreg $0x0  }
0xb1: {  	s10 =	sshll.u32 s28, $0x1;
	[dreg:$0x2] =	wrdreg s9  }
0xb2: {  	[dreg:$0x3] =	wrdreg s10  }
0xb3: {  	[dreg:$0x4] =	wrdreg $0xC0  }
0xb4: {  	_ =	task [dreg:s13], $0x5FFFF  }
0xb5: {  	[dreg:$0x1] =	wrdreg $0xFFFFFFFF  }
0xb6: {  	[dreg:$0x0] =	wrdreg $0x60  }
0xb7: {  	[dreg:$0x2] =	wrdreg s2  }
0xb8: {  	[dreg:$0x3] =	wrdreg s4  }
0xb9: {  	[dreg:$0x4] =	wrdreg s5  }
0xba: {  	[dreg:$0x5] =	wrdreg s6  }
0xbb: {  	[dreg:$0x6] =	wrdreg s17  }
0xbc: {  	[dreg:$0x7] =	wrdreg s18  }
0xbd: {  	[dreg:$0x8] =	wrdreg s19  }
0xbe: {  	[dreg:$0x9] =	wrdreg $0x9  }
0xbf: {  	_ =	task.clear_ibuf [dreg:s13], $0xAFFFF;
	_ =	strace $0x90000046  }
0xc0: {  	s29 =	simm.s32 $0x9;
	_ =	strace $0x80000048  }
0xc1: {  	_ =	swait.ge [sflag:s29], $0x1  }
0xc2: {  	[sflag:s29] =	ssyncadd.s32 $0xFFFFFFFF  }
0xc3: {  	_ =	strace $0x90000048  }
0xc4: {  	_ =	sfence  }
0xc5: {  	s30 =	sld [smem:$0x0];
	_ =	sdelay $0x2  }
0xc6: {  	s31 =	sshll.u32 s1, $0xD;
	s1 =	sshrl.u32 s1, $0x2  }
0xc7: {  	s3 =	sand.u32 $0x4000, s31;
	s1 =	sadd.s32 s1, s30  }
0xc8: {  	s0 =	sor.u32 s3, s0;
	s1 =	sshll.u32 s1, $0x11  }
0xc9: {  	s0 =	sor.u32 s1, s0  }
0xca: {  	s0 =	sadd.s32 $0x8F2B, s0  }
0xcb: {  	[sflag:s0] =	ssyncadd.remote.s32 $0x1  }
0xcc: {  	_ =	sfence.sel $0xFFFF  }
0xcd: {  	[dreg:$0x0] =	wrdreg $0xFFFFFFFF;
	(pc) =	sbr.abs _section_cstart, $3  }
0xce: {  	[dreg:$0x1] =	wrdreg $0xFFFFFFFF  }
0xcf: {  	_ =	task.clear_ibuf [dreg:s13], $0x2FFFF;
	_ =	strace $0x9FFFFFFF  }
0xd0: {  	(tm) =	ssettm $0x7FFFFFFF  }
0xd1: {  	_ =	shalt  }
tec
execute0_lowered:
.L_overlay_start_1:
0x0: {  	(tag) =	ssettag $0x1  }
0x1: {  	s0 =	rddreg [dreg:$0x0]  }
0x2: {  	s2 =	rddreg [dreg:$0x1]  }
0x3: {  	s6 =	rddreg [dreg:$0x2]  }
0x4: {  	s1 =	rddreg [dreg:$0x3]  }
0x5: {  	s7 =	rddreg [dreg:$0x4]  }
0x6: {  	s3 =	rddreg [dreg:$0x5]  }
0x7: {  	s4 =	rddreg [dreg:$0x6]  }
0x8: {  	s5 =	srdreg.scid;
	s9 =	stileid.u32  }
0x9: {  	s31 =	simm.s32 $0x0;
	s8 =	sand.u32 $0x1, s5;
	s5 =	simm.s32 $0x0  }
0xa: {  	s9 =	sshll.u32 s9, $0xA;
	s10 =	sshll.u32 s8, $0x9;
	s8 =	ssub.s32 $0x2, s8  }
0xb: {  	[smem:$0x7FF] =	sst s5;
	s23 =	sor.u32 s10, s9;
	s17 =	sshrl.u32 s8, $0x1  }
0xc: {  	s14 =	sshrl.u32 s23, $0x3;
	s26 =	sor.u32 $0x80, s23;
	s22 =	ssub.s32 s8, s17  }
0xd: {  	s25 =	sor.u32 $0x100, s23;
	s24 =	sor.u32 $0x180, s23;
	s20 =	sshll.u32 s23, $0x3  }
0xe: {  	s28 =	sor.u32 $0x60, s23;
	s29 =	sor.u32 $0x41E0, s23;
	s30 =	sor.u32 $0x41F0, s23  }
0xf: {  	s18 =	sadd.s32 s0, s14;
	s15 =	sshrl.u32 s26, $0x3;
	s19 =	sadd.s32 s2, s14  }
0x10: {  	v63 =	vlaneseq.u32;
	s17 =	sshrl.u32 s25, $0x3;
	s14 =	sadd.s32 s6, s14;
	s16 =	sadd.s32 s7, s20  }
0x11: {  	s21 =	sshll.u32 s26, $0x3;
	v5 =	vor.u32 s28, v63;
	s28 =	sor.u32 $0x4040, s23;
	v15 =	vor.u32 s26, v63;
	s26 =	sor.u32 $0xE0, s23  }
0x12: {  	s22 =	smax.u32 s22, $0x1;
	v62 =	vor.u32 s29, v63;
	s29 =	simm.s32 $0x180;
	[dreg:$0x8] =	wrdreg s18  }
0x13: {  	[dreg:$0x9] =	wrdreg s19;
	s8 =	sadd.s32 s0, s15;
	s9 =	sadd.s32 s2, s15  }
0x14: {  	s10 =	sadd.s32 s0, s17;
	s11 =	sadd.s32 s2, s17;
	s18 =	sshrl.u32 s24, $0x3  }
0x15: {  	s15 =	sadd.s32 s6, s15;
	s17 =	sadd.s32 s6, s17;
	s19 =	sadd.s32 s7, s21  }
0x16: {  	v11 =	vor.u32 s28, v63;
	s28 =	sor.u32 $0xB0, s23;
	v21 =	vor.u32 s26, v63;
	s26 =	sor.u32 $0x40C0, s23;
	s12 =	sadd.s32 s0, s18  }
0x17: {  	s13 =	sadd.s32 s2, s18;
	s18 =	sadd.s32 s6, s18;
	s2 =	sshll.u32 s25, $0x3  }
0x18: {  	s6 =	sshll.u32 s24, $0x3;
	_ =	strace $0x80000047;
	s0 =	sor.u32 $0x40, s23  }
0x19: {  	v31 =	vor.u32 s25, v63;
	v18 =	vor.u32 s28, v63;
	s28 =	sor.u32 $0x4090, s23;
	v27 =	vor.u32 s26, v63;
	s26 =	sor.u32 $0x130, s23;
	s25 =	sor.u32 $0x4110, s23  }
0x1a: {  	v54 =	vor.u32 s23, v63;
	v47 =	vor.u32 s24, v63;
	s24 =	sor.u32 $0x4180, s23;
	s20 =	sadd.s32 s7, s2;
	s21 =	sadd.s32 s7, s6  }
0x1b: {  	s7 =	sor.u32 $0x10, s23;
	s2 =	sor.u32 $0x20, s23;
	s6 =	sor.u32 $0x30, s23;
	v3 =	vor.u32 s0, v63;
	v24 =	vor.u32 s28, v63;
	v34 =	vor.u32 s26, v63  }
0x1c: {  	s0 =	sor.u32 $0x70, s23;
	s28 =	sor.u32 $0x40F0, s23;
	s26 =	sor.u32 $0x4140, s23;
	v40 =	vor.u32 s25, v63;
	v56 =	vor.u32 s24, v63;
	v0 =	vor.u32 s7, v63  }
0x1d: {  	s25 =	sor.u32 $0x1B0, s23;
	s24 =	simm.s32 $0x80;
	s7 =	sor.u32 $0x50, s23;
	v1 =	vor.u32 s2, v63;
	v2 =	vor.u32 s6, v63;
	v6 =	vor.u32 s0, v63  }
0x1e: {  	s2 =	sor.u32 $0x4000, s23;
	s6 =	sor.u32 $0x4010, s23;
	s0 =	sor.u32 $0x4020, s23;
	v30 =	vor.u32 s28, v63;
	v43 =	vor.u32 s26, v63;
	v50 =	vor.u32 s25, v63  }
0x1f: {  	s28 =	sor.u32 $0x160, s23;
	s26 =	sor.u32 $0x1E0, s23;
	s25 =	sor.u32 $0x41C0, s23;
	v4 =	vor.u32 s7, v63;
	v7 =	vor.u32 s2, v63;
	v8 =	vor.u32 s6, v63  }
0x20: {  	s7 =	sor.u32 $0x4030, s23;
	v9 =	vor.u32 s0, v63;
	s0 =	sor.u32 $0x4050, s23;
	s2 =	sor.u32 $0x4060, s23;
	v37 =	vor.u32 s28, v63;
	v53 =	vor.u32 s26, v63  }
0x21: {  	s6 =	sor.u32 $0x4070, s23;
	s28 =	sor.u32 $0x4170, s23;
	v60 =	vor.u32 s25, v63;
	s25 =	simm.s32 $0x100;
	v10 =	vor.u32 s7, v63;
	v12 =	vor.u32 s0, v63  }
0x22: {  	s0 =	sor.u32 $0x90, s23;
	s7 =	sor.u32 $0xA0, s23;
	v13 =	vor.u32 s2, v63;
	v14 =	vor.u32 s6, v63;
	s2 =	sor.u32 $0xC0, s23;
	v46 =	vor.u32 s28, v63  }
0x23: {  	s6 =	sor.u32 $0xD0, s23;
	s28 =	sor.u32 $0x4190, s23;
	v16 =	vor.u32 s0, v63;
	v17 =	vor.u32 s7, v63;
	s0 =	sor.u32 $0xF0, s23;
	v19 =	vor.u32 s2, v63  }
0x24: {  	s7 =	sor.u32 $0x4080, s23;
	v20 =	vor.u32 s6, v63;
	s2 =	sor.u32 $0x40A0, s23;
	s6 =	sor.u32 $0x40B0, s23;
	v57 =	vor.u32 s28, v63;
	v22 =	vor.u32 s0, v63  }
0x25: {  	v23 =	vor.u32 s7, v63;
	s0 =	sor.u32 $0x40D0, s23;
	s7 =	sor.u32 $0x40E0, s23;
	v25 =	vor.u32 s2, v63;
	v26 =	vor.u32 s6, v63;
	s2 =	sor.u32 $0x110, s23  }
0x26: {  	s6 =	sor.u32 $0x120, s23;
	v28 =	vor.u32 s0, v63;
	v29 =	vor.u32 s7, v63;
	s0 =	sor.u32 $0x140, s23;
	s7 =	sor.u32 $0x150, s23;
	v32 =	vor.u32 s2, v63  }
0x27: {  	v33 =	vor.u32 s6, v63;
	s2 =	sor.u32 $0x170, s23;
	s6 =	sor.u32 $0x4100, s23;
	v35 =	vor.u32 s0, v63;
	v36 =	vor.u32 s7, v63;
	s0 =	sor.u32 $0x4120, s23  }
0x28: {  	s7 =	sor.u32 $0x4130, s23;
	v38 =	vor.u32 s2, v63;
	v39 =	vor.u32 s6, v63;
	s2 =	sor.u32 $0x4150, s23;
	s6 =	sor.u32 $0x4160, s23;
	v41 =	vor.u32 s0, v63  }
0x29: {  	v42 =	vor.u32 s7, v63;
	s0 =	sor.u32 $0x190, s23;
	s7 =	sor.u32 $0x1A0, s23;
	v44 =	vor.u32 s2, v63;
	v45 =	vor.u32 s6, v63;
	s2 =	sor.u32 $0x1C0, s23  }
0x2a: {  	s6 =	sor.u32 $0x1D0, s23;
	v48 =	vor.u32 s0, v63;
	s0 =	sor.u32 $0x1F0, s23;
	v49 =	vor.u32 s7, v63;
	v51 =	vor.u32 s2, v63;
	s2 =	sor.u32 $0x41A0, s23  }
0x2b: {  	s26 =	simm.s32 $0x4180;
	s7 =	sor.u32 $0x41B0, s23;
	v52 =	vor.u32 s6, v63;
	s6 =	sor.u32 $0x41D0, s23;
	v55 =	vor.u32 s0, v63;
	v58 =	vor.u32 s2, v63  }
0x2c: {  	s28 =	simm.s32 $0x1;
	s23 =	simm.s32 $0x3;
	v59 =	vor.u32 s7, v63;
	v61 =	vor.u32 s6, v63;
	v63 =	vor.u32 s30, v63;
	s30 =	simm.s32 $0x2  }
.LBB2_1:
0x2d: {  	s0 =	rddreg [dreg:$0x8]  }
0x2e: {  	[tilespmem:s5], [sflag:$0x3] =	stream.linear.gather [hbm4b:s0+s5], $0x80, $0x38;
	[tilespmem:$0x8180] =	vst v63  }
0x2f: {  	_ =	swait.ge [sflag:s23], $0x80  }
0x30: {  	[sflag:s23] =	ssyncset.done $0x0  }
0x31: {  	[sflag:s23] =	ssyncadd.s32 $0xFFFFFF80  }
0x32: {  	[tilespmem:$0x100] =	vst v54  }
0x33: {  	[tilespmem:$0x110] =	vst v0  }
0x34: {  	[tilespmem:$0x120] =	vst v1  }
0x35: {  	[tilespmem:$0x130] =	vst v2  }
0x36: {  	[tilespmem:$0x140] =	vst v3  }
0x37: {  	[tilespmem:$0x150] =	vst v4  }
0x38: {  	[tilespmem:$0x160] =	vst v5  }
0x39: {  	[tilespmem:$0x170] =	vst v6  }
0x3a: {  	[hbm4b:s3+s24] =	stream.indirect.scatter [tilespmem:s25], [sflag:$0x3], $0x1, s5, s24, $0xb8;
	[tilespmem:$0x8180] =	vst v63  }
0x3b: {  	_ =	swait.ge [sflag:s23], $0x80  }
0x3c: {  	[sflag:s23] =	ssyncset.done $0x0  }
0x3d: {  	s7 =	rddreg [dreg:$0x9];
	[sflag:s23] =	ssyncadd.s32 $0xFFFFFF80  }
0x3e: {  	[tilespmem:s5], [sflag:$0x3] =	stream.linear.gather [hbm4b:s7+s5], $0x80, $0x38;
	[tilespmem:$0x8180] =	vst v63  }
0x3f: {  	_ =	swait.ge [sflag:s23], $0x80  }
0x40: {  	[sflag:s23] =	ssyncset.done $0x0  }
0x41: {  	[sflag:s23] =	ssyncadd.s32 $0xFFFFFF80  }
0x42: {  	[tilespmem:$0x100] =	vst v7  }
0x43: {  	[tilespmem:$0x110] =	vst v8  }
0x44: {  	[tilespmem:$0x120] =	vst v9  }
0x45: {  	[tilespmem:$0x130] =	vst v10  }
0x46: {  	[tilespmem:$0x140] =	vst v11  }
0x47: {  	[tilespmem:$0x150] =	vst v12  }
0x48: {  	[tilespmem:$0x160] =	vst v13  }
0x49: {  	[tilespmem:$0x170] =	vst v14  }
0x4a: {  	[hbm4b:s3+s24] =	stream.indirect.scatter [tilespmem:s25], [sflag:$0x3], $0x1, s5, s24, $0xb8;
	[tilespmem:$0x8180] =	vst v63  }
0x4b: {  	_ =	swait.ge [sflag:s23], $0x80  }
0x4c: {  	[sflag:s23] =	ssyncset.done $0x0  }
0x4d: {  	[sflag:s23] =	ssyncadd.s32 $0xFFFFFF80  }
0x4e: {  	[tilespmem:s5], [sflag:$0x3] =	stream.linear.gather [hbm4b:s8+s5], $0x80, $0x38;
	[tilespmem:$0x8180] =	vst v63  }
0x4f: {  	_ =	swait.ge [sflag:s23], $0x80  }
0x50: {  	[sflag:s23] =	ssyncset.done $0x0  }
0x51: {  	[sflag:s23] =	ssyncadd.s32 $0xFFFFFF80  }
0x52: {  	[tilespmem:$0x100] =	vst v15  }
0x53: {  	[tilespmem:$0x110] =	vst v16  }
0x54: {  	[tilespmem:$0x120] =	vst v17  }
0x55: {  	[tilespmem:$0x130] =	vst v18  }
0x56: {  	[tilespmem:$0x140] =	vst v19  }
0x57: {  	[tilespmem:$0x150] =	vst v20  }
0x58: {  	[tilespmem:$0x160] =	vst v21  }
0x59: {  	[tilespmem:$0x170] =	vst v22  }
0x5a: {  	[hbm4b:s3+s24] =	stream.indirect.scatter [tilespmem:s25], [sflag:$0x3], $0x1, s5, s24, $0xb8;
	[tilespmem:$0x8180] =	vst v63  }
0x5b: {  	_ =	swait.ge [sflag:s23], $0x80  }
0x5c: {  	[sflag:s23] =	ssyncset.done $0x0  }
0x5d: {  	[sflag:s23] =	ssyncadd.s32 $0xFFFFFF80  }
0x5e: {  	[tilespmem:s5], [sflag:$0x3] =	stream.linear.gather [hbm4b:s9+s5], $0x80, $0x38;
	[tilespmem:$0x8180] =	vst v63  }
0x5f: {  	_ =	swait.ge [sflag:s23], $0x80  }
0x60: {  	[sflag:s23] =	ssyncset.done $0x0  }
0x61: {  	[sflag:s23] =	ssyncadd.s32 $0xFFFFFF80  }
0x62: {  	[tilespmem:$0x100] =	vst v23  }
0x63: {  	[tilespmem:$0x110] =	vst v24  }
0x64: {  	[tilespmem:$0x120] =	vst v25  }
0x65: {  	[tilespmem:$0x130] =	vst v26  }
0x66: {  	[tilespmem:$0x140] =	vst v27  }
0x67: {  	[tilespmem:$0x150] =	vst v28  }
0x68: {  	[tilespmem:$0x160] =	vst v29  }
0x69: {  	[tilespmem:$0x170] =	vst v30  }
0x6a: {  	[hbm4b:s3+s24] =	stream.indirect.scatter [tilespmem:s25], [sflag:$0x3], $0x1, s5, s24, $0xb8;
	[tilespmem:$0x8180] =	vst v63  }
0x6b: {  	_ =	swait.ge [sflag:s23], $0x80  }
0x6c: {  	[sflag:s23] =	ssyncset.done $0x0  }
0x6d: {  	[sflag:s23] =	ssyncadd.s32 $0xFFFFFF80  }
0x6e: {  	[tilespmem:s5], [sflag:$0x3] =	stream.linear.gather [hbm4b:s10+s5], $0x80, $0x38;
	[tilespmem:$0x8180] =	vst v63  }
0x6f: {  	_ =	swait.ge [sflag:s23], $0x80  }
0x70: {  	[sflag:s23] =	ssyncset.done $0x0  }
0x71: {  	[sflag:s23] =	ssyncadd.s32 $0xFFFFFF80  }
0x72: {  	[tilespmem:$0x100] =	vst v31  }
0x73: {  	[tilespmem:$0x110] =	vst v32  }
0x74: {  	[tilespmem:$0x120] =	vst v33  }
0x75: {  	[tilespmem:$0x130] =	vst v34  }
0x76: {  	[tilespmem:$0x140] =	vst v35  }
0x77: {  	[tilespmem:$0x150] =	vst v36  }
0x78: {  	[tilespmem:$0x160] =	vst v37  }
0x79: {  	[tilespmem:$0x170] =	vst v38  }
0x7a: {  	[hbm4b:s3+s24] =	stream.indirect.scatter [tilespmem:s25], [sflag:$0x3], $0x1, s5, s24, $0xb8;
	[tilespmem:$0x8180] =	vst v63  }
0x7b: {  	_ =	swait.ge [sflag:s23], $0x80  }
0x7c: {  	[sflag:s23] =	ssyncset.done $0x0  }
0x7d: {  	[sflag:s23] =	ssyncadd.s32 $0xFFFFFF80  }
0x7e: {  	[tilespmem:s5], [sflag:$0x3] =	stream.linear.gather [hbm4b:s11+s5], $0x80, $0x38;
	[tilespmem:$0x8180] =	vst v63  }
0x7f: {  	_ =	swait.ge [sflag:s23], $0x80  }
0x80: {  	[sflag:s23] =	ssyncset.done $0x0  }
0x81: {  	[sflag:s23] =	ssyncadd.s32 $0xFFFFFF80  }
0x82: {  	[tilespmem:$0x100] =	vst v39  }
0x83: {  	[tilespmem:$0x110] =	vst v40  }
0x84: {  	[tilespmem:$0x120] =	vst v41  }
0x85: {  	[tilespmem:$0x130] =	vst v42  }
0x86: {  	[tilespmem:$0x140] =	vst v43  }
0x87: {  	[tilespmem:$0x150] =	vst v44  }
0x88: {  	[tilespmem:$0x160] =	vst v45  }
0x89: {  	[tilespmem:$0x170] =	vst v46  }
0x8a: {  	[hbm4b:s3+s24] =	stream.indirect.scatter [tilespmem:s25], [sflag:$0x3], $0x1, s5, s24, $0xb8;
	[tilespmem:$0x8180] =	vst v63  }
0x8b: {  	_ =	swait.ge [sflag:s23], $0x80  }
0x8c: {  	[sflag:s23] =	ssyncset.done $0x0  }
0x8d: {  	[sflag:s23] =	ssyncadd.s32 $0xFFFFFF80  }
0x8e: {  	[tilespmem:s5], [sflag:$0x3] =	stream.linear.gather [hbm4b:s12+s5], $0x80, $0x38;
	[tilespmem:$0x8180] =	vst v63  }
0x8f: {  	_ =	swait.ge [sflag:s23], $0x80  }
0x90: {  	[sflag:s23] =	ssyncset.done $0x0  }
0x91: {  	[sflag:s23] =	ssyncadd.s32 $0xFFFFFF80  }
0x92: {  	[tilespmem:$0x100] =	vst v47  }
0x93: {  	[tilespmem:$0x110] =	vst v48  }
0x94: {  	[tilespmem:$0x120] =	vst v49  }
0x95: {  	[tilespmem:$0x130] =	vst v50  }
0x96: {  	[tilespmem:$0x140] =	vst v51  }
0x97: {  	[tilespmem:$0x150] =	vst v52  }
0x98: {  	[tilespmem:$0x160] =	vst v53  }
0x99: {  	[tilespmem:$0x170] =	vst v55  }
0x9a: {  	[hbm4b:s3+s24] =	stream.indirect.scatter [tilespmem:s25], [sflag:$0x3], $0x1, s5, s24, $0xb8;
	[tilespmem:$0x8180] =	vst v63  }
0x9b: {  	_ =	swait.ge [sflag:s23], $0x80  }
0x9c: {  	[sflag:s23] =	ssyncset.done $0x0  }
0x9d: {  	[sflag:s23] =	ssyncadd.s32 $0xFFFFFF80  }
0x9e: {  	[tilespmem:s5], [sflag:$0x3] =	stream.linear.gather [hbm4b:s13+s5], $0x80, $0x38;
	[tilespmem:$0x8180] =	vst v63  }
0x9f: {  	_ =	swait.ge [sflag:s23], $0x80  }
0xa0: {  	[sflag:s23] =	ssyncset.done $0x0  }
0xa1: {  	[sflag:s23] =	ssyncadd.s32 $0xFFFFFF80  }
0xa2: {  	[tilespmem:$0x100] =	vst v56  }
0xa3: {  	[tilespmem:$0x110] =	vst v57  }
0xa4: {  	[tilespmem:$0x120] =	vst v58  }
0xa5: {  	[tilespmem:$0x130] =	vst v59  }
0xa6: {  	[tilespmem:$0x140] =	vst v60  }
0xa7: {  	[tilespmem:$0x150] =	vst v61  }
0xa8: {  	[tilespmem:$0x160] =	vst v62  }
0xa9: {  	[tilespmem:$0x170] =	vst v63  }
0xaa: {  	[hbm4b:s3+s24] =	stream.indirect.scatter [tilespmem:s25], [sflag:$0x3], $0x1, s5, s24, $0xb8;
	[tilespmem:$0x8180] =	vst v63  }
0xab: {  	_ =	swait.ge [sflag:s23], $0x80  }
0xac: {  	[sflag:s23] =	ssyncset.done $0x0  }
0xad: {  	[sflag:s23] =	ssyncadd.s32 $0xFFFFFF80  }
0xae: {  	[tilespmem:s5], [sflag:$0x3] =	stream.linear.gather [hbm4b:s14+s5], $0x80, $0x38;
	[tilespmem:$0x8180] =	vst v63  }
0xaf: {  	_ =	swait.ge [sflag:s23], $0x80  }
0xb0: {  	[sflag:s23] =	ssyncset.done $0x0  }
0xb1: {  	[sflag:s23] =	ssyncadd.s32 $0xFFFFFF80  }
0xb2: {  	[tilespmem:s29], [sflag:$0x1] =	stream.indirect.gather [hbm4b:s1+s24], $0x80, s5, s24, $0xb8;
	[tilespmem:$0x8180] =	vst v63  }
0xb3: {  	_ = 	snop  }
0xb4: {  	[tilespmem:s24], [sflag:$0x3] =	stream.linear.gather [hbm4b:s15+s5], $0x80, $0x38;
	[tilespmem:$0x8180] =	vst v63  }
0xb5: {  	_ =	swait.ge [sflag:s23], $0x80  }
0xb6: {  	[sflag:s23] =	ssyncset.done $0x0  }
0xb7: {  	[sflag:s23] =	ssyncadd.s32 $0xFFFFFF80  }
0xb8: {  	[tilespmem:s26], [sflag:$0x2] =	stream.indirect.gather [hbm4b:s1+s24], $0x80, s24, s24, $0xb8;
	[tilespmem:$0x8180] =	vst v63  }
0xb9: {  	_ =	swait.ge [sflag:s28], $0x4000  }
0xba: {  	s2 =	simm.s32 $0x200;
	s6 =	simm.s32 $0x180;
	[sflag:s28] =	ssyncset.done $0x0  }
0xbb: {  	s0 =	simm.s32 $0x8;
	s7 =	sadd.s32 $0x0, s16;
	[sflag:s28] =	ssyncadd.s32 $0xFFFFC000  }
.LBB2_2:
0xbc: {  	[hbm4b:s7+s5] =	stream.linear.scatter [tilespmem:s6], [sflag:$0x3], $0x40, $0x38;
	[tilespmem:$0x8180] =	vst v63  }
0xbd: {  	s7 =	smov.u32 s0;
	s6 =	smov.u32 s2;
	p0 =	sne.s32 s0, $0x3F8  }
.Ltmp0:
0xbe: {  	s0 =	sadd.s32 $0x8, s0;
	(pc) =	sbr.rel @p0 .LBB2_2-.Ltmp0, $2  }
0xbf: {  	_ =	sdelay $0x2  }
0xc0: {  	s2 =	sadd.s32 $0x80, s2;
	s7 =	sadd.s32 s7, s16  }
0xc1: {  	[hbm4b:s7+s5] =	stream.linear.scatter [tilespmem:s6], [sflag:$0x3], $0x40, $0x38;
	[tilespmem:$0x8180] =	vst v63  }
0xc2: {  	_ =	swait.ge [sflag:s23], $0x2000  }
0xc3: {  	[sflag:s23] =	ssyncset.done $0x0  }
0xc4: {  	[sflag:s23] =	ssyncadd.s32 $0xFFFFE000  }
0xc5: {  	[tilespmem:$0x100] =	vst v54  }
0xc6: {  	[tilespmem:$0x110] =	vst v0  }
0xc7: {  	[tilespmem:$0x120] =	vst v1  }
0xc8: {  	[tilespmem:$0x130] =	vst v2  }
0xc9: {  	[tilespmem:$0x140] =	vst v3  }
0xca: {  	[tilespmem:$0x150] =	vst v4  }
0xcb: {  	[tilespmem:$0x160] =	vst v5  }
0xcc: {  	s0 =	simm.s32 $0x0;
	[tilespmem:$0x170] =	vst v6  }
0xcd: {  	[hbm4b:s4+s24] =	stream.indirect.scatter [tilespmem:s25], [sflag:$0x3], $0x1, s0, s24, $0xb8;
	[tilespmem:$0x8180] =	vst v63  }
0xce: {  	_ =	swait.ge [sflag:s23], $0x80  }
0xcf: {  	[sflag:s23] =	ssyncset.done $0x0  }
0xd0: {  	[sflag:s23] =	ssyncadd.s32 $0xFFFFFF80  }
0xd1: {  	[tilespmem:s0], [sflag:$0x3] =	stream.linear.gather [hbm4b:s17+s0], $0x80, $0x38;
	[tilespmem:$0x8180] =	vst v63  }
0xd2: {  	_ =	swait.ge [sflag:s23], $0x80  }
0xd3: {  	[sflag:s23] =	ssyncset.done $0x0  }
0xd4: {  	[sflag:s23] =	ssyncadd.s32 $0xFFFFFF80  }
0xd5: {  	[tilespmem:s29], [sflag:$0x1] =	stream.indirect.gather [hbm4b:s1+s24], $0x80, s0, s24, $0xb8;
	[tilespmem:$0x8180] =	vst v63  }
0xd6: {  	_ =	swait.ge [sflag:s30], $0x4000  }
0xd7: {  	s2 =	simm.s32 $0x8;
	s7 =	sadd.s32 $0x0, s19;
	[sflag:s30] =	ssyncset.done $0x0  }
0xd8: {  	s6 =	simm.s32 $0x4200;
	s0 =	simm.s32 $0x4180;
	[sflag:s30] =	ssyncadd.s32 $0xFFFFC000  }
.LBB2_4:
0xd9: {  	[hbm4b:s7+s5] =	stream.linear.scatter [tilespmem:s0], [sflag:$0x3], $0x40, $0x38;
	[tilespmem:$0x8180] =	vst v63  }
0xda: {  	s7 =	smov.u32 s2;
	s0 =	smov.u32 s6;
	p0 =	sne.s32 s2, $0x3F8  }
.Ltmp1:
0xdb: {  	s2 =	sadd.s32 $0x8, s2;
	(pc) =	sbr.rel @p0 .LBB2_4-.Ltmp1, $2  }
0xdc: {  	_ =	sdelay $0x2  }
0xdd: {  	s6 =	sadd.s32 $0x80, s6;
	s7 =	sadd.s32 s7, s19  }
0xde: {  	[hbm4b:s7+s5] =	stream.linear.scatter [tilespmem:s0], [sflag:$0x3], $0x40, $0x38;
	[tilespmem:$0x8180] =	vst v63  }
0xdf: {  	_ =	swait.ge [sflag:s23], $0x2000  }
0xe0: {  	[sflag:s23] =	ssyncset.done $0x0  }
0xe1: {  	[sflag:s23] =	ssyncadd.s32 $0xFFFFE000  }
0xe2: {  	[tilespmem:$0x100] =	vst v15  }
0xe3: {  	[tilespmem:$0x110] =	vst v16  }
0xe4: {  	[tilespmem:$0x120] =	vst v17  }
0xe5: {  	[tilespmem:$0x130] =	vst v18  }
0xe6: {  	[tilespmem:$0x140] =	vst v19  }
0xe7: {  	[tilespmem:$0x150] =	vst v20  }
0xe8: {  	[tilespmem:$0x160] =	vst v21  }
0xe9: {  	[tilespmem:$0x170] =	vst v22  }
0xea: {  	[hbm4b:s4+s24] =	stream.indirect.scatter [tilespmem:s25], [sflag:$0x3], $0x1, s24, s24, $0xb8;
	[tilespmem:$0x8180] =	vst v63  }
0xeb: {  	_ =	swait.ge [sflag:s23], $0x80  }
0xec: {  	[sflag:s23] =	ssyncset.done $0x0  }
0xed: {  	s7 =	simm.s32 $0x0;
	[sflag:s23] =	ssyncadd.s32 $0xFFFFFF80  }
0xee: {  	[tilespmem:s24], [sflag:$0x3] =	stream.linear.gather [hbm4b:s18+s7], $0x80, $0x38;
	[tilespmem:$0x8180] =	vst v63  }
0xef: {  	_ =	swait.ge [sflag:s23], $0x80  }
0xf0: {  	[sflag:s23] =	ssyncset.done $0x0  }
0xf1: {  	[sflag:s23] =	ssyncadd.s32 $0xFFFFFF80  }
0xf2: {  	[tilespmem:s26], [sflag:$0x2] =	stream.indirect.gather [hbm4b:s1+s24], $0x80, s24, s24, $0xb8;
	[tilespmem:$0x8180] =	vst v63  }
0xf3: {  	_ =	swait.ge [sflag:s28], $0x4000  }
0xf4: {  	s0 =	simm.s32 $0x180;
	s2 =	simm.s32 $0x8;
	[sflag:s28] =	ssyncset.done $0x0  }
0xf5: {  	s6 =	simm.s32 $0x200;
	s7 =	sadd.s32 $0x0, s20;
	[sflag:s28] =	ssyncadd.s32 $0xFFFFC000  }
.LBB2_6:
0xf6: {  	[hbm4b:s7+s5] =	stream.linear.scatter [tilespmem:s0], [sflag:$0x3], $0x40, $0x38;
	[tilespmem:$0x8180] =	vst v63  }
0xf7: {  	s7 =	smov.u32 s2;
	s0 =	smov.u32 s6;
	p0 =	sne.s32 s2, $0x3F8  }
.Ltmp2:
0xf8: {  	s2 =	sadd.s32 $0x8, s2;
	(pc) =	sbr.rel @p0 .LBB2_6-.Ltmp2, $2  }
0xf9: {  	_ =	sdelay $0x2  }
0xfa: {  	s6 =	sadd.s32 $0x80, s6;
	s7 =	sadd.s32 s7, s20  }
0xfb: {  	[hbm4b:s7+s5] =	stream.linear.scatter [tilespmem:s0], [sflag:$0x3], $0x40, $0x38;
	[tilespmem:$0x8180] =	vst v63  }
0xfc: {  	_ =	swait.ge [sflag:s23], $0x2000  }
0xfd: {  	[sflag:s23] =	ssyncset.done $0x0  }
0xfe: {  	[sflag:s23] =	ssyncadd.s32 $0xFFFFE000  }
0xff: {  	[tilespmem:$0x100] =	vst v31  }
0x100: {  	[tilespmem:$0x110] =	vst v32  }
0x101: {  	[tilespmem:$0x120] =	vst v33  }
0x102: {  	[tilespmem:$0x130] =	vst v34  }
0x103: {  	[tilespmem:$0x140] =	vst v35  }
0x104: {  	[tilespmem:$0x150] =	vst v36  }
0x105: {  	[tilespmem:$0x160] =	vst v37  }
0x106: {  	s7 =	simm.s32 $0x0;
	[tilespmem:$0x170] =	vst v38  }
0x107: {  	[hbm4b:s4+s24] =	stream.indirect.scatter [tilespmem:s25], [sflag:$0x3], $0x1, s7, s24, $0xb8;
	[tilespmem:$0x8180] =	vst v63  }
0x108: {  	_ =	swait.ge [sflag:s23], $0x80  }
0x109: {  	[sflag:s23] =	ssyncset.done $0x0  }
0x10a: {  	[sflag:s23] =	ssyncadd.s32 $0xFFFFFF80  }
0x10b: {  	_ =	swait.ge [sflag:s30], $0x4000  }
0x10c: {  	s0 =	simm.s32 $0x4180;
	s2 =	simm.s32 $0x8;
	[sflag:s30] =	ssyncset.done $0x0  }
0x10d: {  	s6 =	simm.s32 $0x4200;
	s7 =	sadd.s32 $0x0, s21;
	[sflag:s30] =	ssyncadd.s32 $0xFFFFC000  }
.LBB2_8:
0x10e: {  	[hbm4b:s7+s5] =	stream.linear.scatter [tilespmem:s0], [sflag:$0x3], $0x40, $0x38;
	[tilespmem:$0x8180] =	vst v63  }
0x10f: {  	s7 =	smov.u32 s2;
	s0 =	smov.u32 s6;
	p0 =	sne.s32 s2, $0x3F8  }
.Ltmp3:
0x110: {  	s2 =	sadd.s32 $0x8, s2;
	(pc) =	sbr.rel @p0 .LBB2_8-.Ltmp3, $2  }
0x111: {  	_ =	sdelay $0x2  }
0x112: {  	s6 =	sadd.s32 $0x80, s6;
	s7 =	sadd.s32 s7, s21  }
0x113: {  	[hbm4b:s7+s5] =	stream.linear.scatter [tilespmem:s0], [sflag:$0x3], $0x40, $0x38;
	[tilespmem:$0x8180] =	vst v63  }
0x114: {  	_ =	swait.ge [sflag:s23], $0x2000  }
0x115: {  	[sflag:s23] =	ssyncset.done $0x0  }
0x116: {  	[sflag:s23] =	ssyncadd.s32 $0xFFFFE000  }
0x117: {  	[tilespmem:$0x100] =	vst v47  }
0x118: {  	[tilespmem:$0x110] =	vst v48  }
0x119: {  	[tilespmem:$0x120] =	vst v49  }
0x11a: {  	[tilespmem:$0x130] =	vst v50  }
0x11b: {  	[tilespmem:$0x140] =	vst v51  }
0x11c: {  	s31 =	sadd.s32 $0x1, s31;
	[tilespmem:$0x150] =	vst v52  }
0x11d: {  	p0 =	sne.s32 s31, s22;
	[tilespmem:$0x160] =	vst v53  }
.Ltmp4:
0x11e: {  	[tilespmem:$0x170] =	vst v55;
	(pc) =	sbr.rel @p0 .LBB2_1-.Ltmp4, $4  }
0x11f: {  	[hbm4b:s4+s24] =	stream.indirect.scatter [tilespmem:s25], [sflag:$0x3], $0x1, s24, s24, $0xb8;
	[tilespmem:$0x8180] =	vst v63  }
0x120: {  	_ =	swait.ge [sflag:s23], $0x80  }
0x121: {  	[sflag:s23] =	ssyncset.done $0x0  }
0x122: {  	[sflag:s23] =	ssyncadd.s32 $0xFFFFFF80  }
0x123: {  	_ =	sfence.sel $0x180000  }
0x124: {  	[bflag:$0x0] =	sbarrier.arrive $0xFFFF  }
0x125: {  	_ =	strace $0x90000047  }
0x126: {  	s0 =	stileid.u32;
	[bflag:$0x2] =	sbarrier.arrive $0xFFFF  }
0x127: {  	p0 =	sne.s32 s0, $0x0;
	s0 =	rddreg [dreg:$0x7]  }
0x128: {  	s0 =	sadd.s32 @!p0 $0x100000, s0  }
0x129: {  	[sflag:s0] =	ssyncadd.tile.s32 @!p0 $0x1;
	_ =	shalt  }
.Lfunc_end2:
_tile_overlayer_lowered:
.L_overlay_start_2:
0x12a: {  	(tag) =	ssettag $0x2  }
0x12b: {  	s0 =	rddreg [dreg:$0x0];
	s2 =	stileid.u32  }
0x12c: {  	s1 =	rddreg [dreg:$0x1];
	p0 =	sne.s32 s2, $0x0  }
0x12d: {  	s3 =	rddreg [dreg:$0x2];
	[bflag:$0x3] =	sbarrier.arrive $0xFFFF;
	s2 =	simm.s32 @!p0 $0x1C03  }
0x12e: {  	[timem:s3], [sflag:s2] =	dma.local @!p0 [hbm:s0], s1  }
0x12f: {  	s0 =	simm.s32 @!p0 $0x3  }
0x130: {  	_ =	swait.ge @!p0 [sflag:s0], s1  }
0x131: {  	s1 =	ssub.s32 @!p0 $0x0, s1;
	[sflag:s0] =	ssyncset.done @!p0 $0x0  }
0x132: {  	[sflag:s0] =	ssyncadd.s32 @!p0 s1  }
0x133: {  	[bflag:$0x3] =	sbarrier.arrive $0xFFFF  }
0x134: {  	_ =	shalt  }

</sc_bundles>
